<compile_context>
chip_gen: v7x
topology: tpu7x:2x2x1
jax: 0.10.2.dev20260603
libtpu: 0.0.44.dev20260713+nightly
codegen_flags: <defaults>
</compile_context>

<pallas_src>
import functools

import jax
import jax.numpy as jnp
from jax import lax
from jax.experimental import pallas as pl
from jax.experimental.pallas import tpu as pltpu
from jax.experimental.pallas import tpu_sc as plsc

N = 10000
E = 320000
HID = 128
B = 4096
LABEL = 100

NC = 2
NT = 16
NW = NC * NT
CHUNK = 128
NCHUNK = 80
EPW = NCHUNK * CHUNK
NP = 10240
RPT = NP // NT
BPW = B // NW

_MESH = plsc.VectorSubcoreMesh(core_axis_name="c", subcore_axis_name="s")


def _spmm_body(y_hbm, rows_hbm, cols_hbm, zeros_hbm, out_hbm,
               idx_row, idx_col, rows_v, acc, gsem):
    c = lax.axis_index("c")
    s = lax.axis_index("s")
    wid = c * NT + s
    pltpu.sync_copy(rows_hbm.at[wid], idx_row)
    pltpu.sync_copy(cols_hbm.at[wid], idx_col)
    pltpu.sync_copy(zeros_hbm.at[pl.ds(s * RPT, RPT)],
                    acc.at[pl.ds(s * RPT, RPT)])
    plsc.subcore_barrier()

    def step(j, carry):
        pltpu.async_copy(y_hbm.at[idx_col.at[j]], rows_v, gsem).wait()
        pltpu.sync_copy(rows_v, acc.at[idx_row.at[j]], add=True)
        return carry

    lax.fori_loop(0, NCHUNK, step, 0)
    plsc.subcore_barrier()
    pltpu.sync_copy(acc.at[pl.ds(s * RPT, RPT)],
                    out_hbm.at[c, pl.ds(s * RPT, RPT)])


_spmm_sc = functools.partial(
    pl.kernel,
    out_type=jax.ShapeDtypeStruct((NC, NP, HID), jnp.float32),
    mesh=_MESH,
    scratch_types=[
        pltpu.VMEM((NCHUNK, CHUNK), jnp.int32),
        pltpu.VMEM((NCHUNK, CHUNK), jnp.int32),
        pltpu.VMEM((CHUNK, HID), jnp.float32),
        pltpu.VMEM_SHARED((NP, HID), jnp.float32),
        pltpu.SemaphoreType.DMA,
    ],
)(_spmm_body)


def _gather_body(p0_hbm, p1_hbm, raw0_hbm, bat_hbm, out_hbm, idx_v, buf_v, gsem):
    wid = lax.axis_index("c") * NT + lax.axis_index("s")
    pltpu.sync_copy(bat_hbm.at[wid], idx_v)
    pltpu.async_copy(p0_hbm.at[idx_v], buf_v, gsem).wait()
    pltpu.sync_copy(buf_v, out_hbm.at[0, pl.ds(wid * BPW, BPW)])
    pltpu.async_copy(p1_hbm.at[idx_v], buf_v, gsem).wait()
    pltpu.sync_copy(buf_v, out_hbm.at[1, pl.ds(wid * BPW, BPW)])
    pltpu.async_copy(raw0_hbm.at[idx_v], buf_v, gsem).wait()
    pltpu.sync_copy(buf_v, out_hbm.at[2, pl.ds(wid * BPW, BPW)])


_gather_sc = functools.partial(
    pl.kernel,
    out_type=jax.ShapeDtypeStruct((3, B, HID), jnp.float32),
    mesh=_MESH,
    scratch_types=[
        pltpu.VMEM((BPW,), jnp.int32),
        pltpu.VMEM((BPW, HID), jnp.float32),
        pltpu.SemaphoreType.DMA,
    ],
)(_gather_body)


def _embed_tc(lane_f, type_f, len_f, t64, node_tab, gat_W, gat_b,
              raw0_ref, y1_ref):
    il = lax.broadcasted_iota(jnp.int32, (_EMB_BLK, 128), 1)
    oh = ((il == lane_f[...]) | (il == type_f[...] + 8)
          | (il == len_f[...] + 28)).astype(jnp.float32)
    left = jnp.dot(oh, t64[...], preferred_element_type=jnp.float32)
    x = jnp.concatenate([left, node_tab[...]], axis=1)
    raw0_ref[...] = x
    y1_ref[...] = jnp.dot(x, gat_W[...],
                          preferred_element_type=jnp.float32) + gat_b[...]


_EMB_BLK = 2000


def _embed_call(lane_f, type_f, len_f, t64, node_tab, gat_W, gat_b):
    return pl.pallas_call(
        _embed_tc,
        grid=(N // _EMB_BLK,),
        in_specs=[
            pl.BlockSpec((_EMB_BLK, 1), lambda i: (i, 0)),
            pl.BlockSpec((_EMB_BLK, 1), lambda i: (i, 0)),
            pl.BlockSpec((_EMB_BLK, 1), lambda i: (i, 0)),
            pl.BlockSpec((128, 64), lambda i: (0, 0)),
            pl.BlockSpec((_EMB_BLK, 64), lambda i: (i, 0)),
            pl.BlockSpec((HID, HID), lambda i: (0, 0)),
            pl.BlockSpec((1, HID), lambda i: (0, 0)),
        ],
        out_specs=(pl.BlockSpec((_EMB_BLK, HID), lambda i: (i, 0)),
                   pl.BlockSpec((_EMB_BLK, HID), lambda i: (i, 0))),
        out_shape=(jax.ShapeDtypeStruct((N, HID), jnp.float32),
                   jax.ShapeDtypeStruct((N, HID), jnp.float32)),
    )(lane_f, type_f, len_f, t64, node_tab, gat_W, gat_b)


def _matmul_tc(a0, a1, W, b, y_ref):
    x = a0[...] + a1[...]
    y_ref[...] = jnp.dot(x, W[...], preferred_element_type=jnp.float32) + b[...]


def _matmul_call(a0, a1, W, b):
    return pl.pallas_call(
        _matmul_tc,
        grid=(N // _EMB_BLK,),
        in_specs=[
            pl.BlockSpec((_EMB_BLK, HID), lambda i: (i, 0)),
            pl.BlockSpec((_EMB_BLK, HID), lambda i: (i, 0)),
            pl.BlockSpec((HID, HID), lambda i: (0, 0)),
            pl.BlockSpec((1, HID), lambda i: (0, 0)),
        ],
        out_specs=pl.BlockSpec((_EMB_BLK, HID), lambda i: (i, 0)),
        out_shape=jax.ShapeDtypeStruct((N, HID), jnp.float32),
    )(a0, a1, W, b)


def _final_tc(g0, g1, gr, Wt, Wb, b, out_ref):
    x2 = g0[...] + g1[...]
    out_ref[...] = (jnp.dot(x2, Wt[...], preferred_element_type=jnp.float32)
                    + jnp.dot(gr[...], Wb[...],
                              preferred_element_type=jnp.float32) + b[...])


_FIN_BLK = 1024


def _final_call(g0, g1, gr, Wt, Wb, b):
    return pl.pallas_call(
        _final_tc,
        grid=(B // _FIN_BLK,),
        in_specs=[
            pl.BlockSpec((_FIN_BLK, HID), lambda i: (i, 0)),
            pl.BlockSpec((_FIN_BLK, HID), lambda i: (i, 0)),
            pl.BlockSpec((_FIN_BLK, HID), lambda i: (i, 0)),
            pl.BlockSpec((HID, LABEL), lambda i: (0, 0)),
            pl.BlockSpec((HID, LABEL), lambda i: (0, 0)),
            pl.BlockSpec((1, LABEL), lambda i: (0, 0)),
        ],
        out_specs=pl.BlockSpec((_FIN_BLK, LABEL), lambda i: (i, 0)),
        out_shape=jax.ShapeDtypeStruct((B, LABEL), jnp.float32),
    )(g0, g1, gr, Wt, Wb, b)


def kernel(input_bat, node_feature, type_feature, length_feature, lane_feature,
           edge_index, struct_assign, fnc_assign, node_table, type_table,
           length_table, lane_table, fnc_gcn_W, fnc_gcn_b, struct_gcn_W,
           struct_gcn_b, gat_W, gat_b, lc_W, lc_b, ls_W, ls_b, bn_gamma,
           bn_beta, lin_W, lin_b):
    edge = edge_index.astype(jnp.int32)
    pad_n = NW * EPW - E
    pad_r = N + jnp.arange(pad_n, dtype=jnp.int32) % (NP - N)
    pad_c = jnp.arange(pad_n, dtype=jnp.int32) % N
    rows = jnp.concatenate([edge[0], pad_r]).reshape(NW, NCHUNK, CHUNK)
    cols = jnp.concatenate([edge[1], pad_c]).reshape(NW, NCHUNK, CHUNK)
    bat = input_bat.astype(jnp.int32).reshape(NW, BPW)
    zeros = jnp.zeros((NP, HID), jnp.float32)

    t64 = jnp.zeros((128, 64), jnp.float32)
    t64 = t64.at[0:8, 0:16].set(lane_table)
    t64 = t64.at[8:28, 16:48].set(type_table)
    t64 = t64.at[28:128, 48:64].set(length_table)

    lane_f = lane_feature.astype(jnp.int32).reshape(N, 1)
    type_f = type_feature.astype(jnp.int32).reshape(N, 1)
    len_f = length_feature.astype(jnp.int32).reshape(N, 1)

    gat_b2 = gat_b.reshape(1, HID)
    raw0, y1 = _embed_call(lane_f, type_f, len_f, t64, node_table, gat_W,
                           gat_b2)

    a = _spmm_sc(y1, rows, cols, zeros)
    y2 = _matmul_call(a[0, :N], a[1, :N], gat_W, gat_b2)
    p = _spmm_sc(y2, rows, cols, zeros)

    g = _gather_sc(p[0], p[1], raw0, bat)
    out = _final_call(g[0], g[1], g[2], lin_W[:HID], lin_W[HID:],
                      lin_b.reshape(1, LABEL))
    return out

# --- scband reference (transcript-rebuilt; emitter-appended) ---
"""Pipeline reference for scband-label-pred-model-43997644980269 (READ-ONLY COPY).

The authoritative reference and input builder live on the scoring server;
editing this copy changes nothing except your own understanding.
"""

import jax, jax.numpy as jnp
import numpy as np

N = 10000
E = 320000
HID = 128
NS = 1024
NF = 128
LABEL = 100
B = 4096
N_LAYERS = 2


def spmm(edge_index, vals, n_rows, mat):
    # sparse[row, col] = vals ; returns sparse @ mat
    return jax.ops.segment_sum(vals[:, None] * mat[edge_index[1]], edge_index[0], num_segments=n_rows)


def setup_inputs(seed: int = 0) -> dict:
    key = jax.random.key(seed)
    ks = jax.random.split(key, 24)
    inp = {}
    inp["input_bat"] = jax.random.randint(ks[0], (B,), 0, N)
    inp["node_feature"] = jnp.arange(N)
    inp["type_feature"] = jax.random.randint(ks[1], (N,), 0, 20)
    inp["length_feature"] = jax.random.randint(ks[2], (N,), 0, 100)
    inp["lane_feature"] = jax.random.randint(ks[3], (N,), 0, 8)
    inp["edge_index"] = jax.random.randint(ks[4], (2, E), 0, N)
    inp["struct_assign"] = jax.random.uniform(ks[5], (N, NS), dtype=jnp.float32)
    inp["fnc_assign"] = jax.random.uniform(ks[6], (NS, NF), dtype=jnp.float32)
    inp["node_table"] = 0.02 * jax.random.normal(ks[7], (N, 64), dtype=jnp.float32)
    inp["type_table"] = 0.02 * jax.random.normal(ks[8], (20, 32), dtype=jnp.float32)
    inp["length_table"] = 0.02 * jax.random.normal(ks[9], (100, 16), dtype=jnp.float32)
    inp["lane_table"] = 0.02 * jax.random.normal(ks[10], (8, 16), dtype=jnp.float32)
    inp["fnc_gcn_W"] = 0.05 * jax.random.normal(ks[11], (HID, HID), dtype=jnp.float32)
    inp["fnc_gcn_b"] = jnp.zeros((HID,), jnp.float32)
    inp["struct_gcn_W"] = 0.05 * jax.random.normal(ks[12], (HID, HID), dtype=jnp.float32)
    inp["struct_gcn_b"] = jnp.zeros((HID,), jnp.float32)
    inp["gat_W"] = 0.05 * jax.random.normal(ks[13], (HID, HID), dtype=jnp.float32)
    inp["gat_b"] = jnp.zeros((HID,), jnp.float32)
    inp["lc_W"] = 0.05 * jax.random.normal(ks[14], (2 * HID, 1), dtype=jnp.float32)
    inp["lc_b"] = jnp.zeros((1,), jnp.float32)
    inp["ls_W"] = 0.05 * jax.random.normal(ks[15], (2 * HID, 1), dtype=jnp.float32)
    inp["ls_b"] = jnp.zeros((1,), jnp.float32)
    inp["bn_gamma"] = jnp.ones((HID,), jnp.float32)
    inp["bn_beta"] = jnp.zeros((HID,), jnp.float32)
    inp["lin_W"] = 0.05 * jax.random.normal(ks[16], (2 * HID, LABEL), dtype=jnp.float32)
    inp["lin_b"] = jnp.zeros((LABEL,), jnp.float32)
    return inp


def tl_core(struct_adj, raw_feat, edge_index, edge_e, struct_assign, fnc_assign,
            fnc_gcn_W, fnc_gcn_b, struct_gcn_W, struct_gcn_b, gat_W, gat_b,
            lc_W, lc_b, ls_W, ls_b, bn_gamma, bn_beta):
    sa = struct_assign / (jax.nn.relu(jnp.sum(struct_assign, 0) - 1.0) + 1.0)
    fa = fnc_assign / (jax.nn.relu(jnp.sum(fnc_assign, 0) - 1.0) + 1.0)
    struct_emb = sa.T @ raw_feat
    fnc_emb = fa.T @ struct_emb
    mean = jnp.mean(fnc_emb, 0)
    var = jnp.var(fnc_emb, 0)
    fnc_emb_adj = (fnc_emb - mean) / jnp.sqrt(var + 1e-12) * bn_gamma + bn_beta
    fnc_adj = jax.nn.sigmoid(fnc_emb_adj @ fnc_emb_adj.T)
    fnc_emb = fnc_adj @ (fnc_emb @ fnc_gcn_W) + fnc_gcn_b
    fnc_message = (fa @ fnc_emb) / ((jax.nn.relu(jnp.sum(fa, 1) - 1.0) + 1.0)[:, None] * 50.0)
    r_f = jax.nn.sigmoid(jnp.concatenate([struct_emb, fnc_message], 1) @ lc_W + lc_b)
    struct_emb = struct_emb + r_f * 0.2 * fnc_message
    eye = jnp.eye(struct_adj.shape[1], dtype=struct_adj.dtype)
    sadj = jax.nn.relu(struct_adj - eye * 10000.0) + eye * 1.0
    struct_emb = sadj @ (struct_emb @ struct_gcn_W) + struct_gcn_b
    struct_message = struct_assign @ struct_emb
    r_s = jax.nn.sigmoid(jnp.concatenate([raw_feat, struct_message], 1) @ ls_W + ls_b)  # computed but unused, as in torch
    raw_feat = spmm(edge_index, edge_e, raw_feat.shape[0], raw_feat @ gat_W + gat_b)
    return raw_feat


def reference(input_bat, node_feature, type_feature, length_feature, lane_feature,
              edge_index, struct_assign, fnc_assign, node_table, type_table,
              length_table, lane_table, fnc_gcn_W, fnc_gcn_b, struct_gcn_W,
              struct_gcn_b, gat_W, gat_b, lc_W, lc_b, ls_W, ls_b, bn_gamma,
              bn_beta, lin_W, lin_b):
    edge_e = jnp.ones((edge_index.shape[1],), jnp.float32)
    struct_inter = spmm(edge_index, edge_e, struct_assign.shape[0], struct_assign)
    struct_adj = struct_assign.T @ struct_inter
    raw_feat = jnp.concatenate([lane_table[lane_feature], type_table[type_feature],
                                length_table[length_feature], node_table[node_feature]], 1)
    init_feat = raw_feat
    for _ in range(N_LAYERS):
        raw_feat = tl_core(struct_adj, raw_feat, edge_index, edge_e, struct_assign,
                           fnc_assign, fnc_gcn_W, fnc_gcn_b, struct_gcn_W,
                           struct_gcn_b, gat_W, gat_b, lc_W, lc_b, ls_W, ls_b,
                           bn_gamma, bn_beta)
    out_state = jnp.concatenate([raw_feat[input_bat], init_feat[input_bat]], 1)
    return out_state @ lin_W + lin_b

if __name__ == "__main__":
    import jax
    _d = setup_inputs()
    print(jax.jit(kernel)(*tuple(_d.values())))

</pallas_src>

<mosaic_0001>
#map = affine_map<(d0, d1) -> (0, 0)>
#map1 = affine_map<(d0, d1) -> (0, 0, 0)>
module attributes {stable_mosaic.version = 14 : i64} {
  func.func @_gather_body(%arg0: i32, %arg1: i32, %arg2: memref<10240x128xf32, #tpu.memory_space<hbm>>, %arg3: memref<10240x128xf32, #tpu.memory_space<hbm>>, %arg4: memref<10000x128xf32, #tpu.memory_space<hbm>>, %arg5: memref<32x128xi32, #tpu.memory_space<hbm>>, %arg6: memref<3x4096x128xf32, #tpu.memory_space<hbm>>, %arg7: memref<128xi32, #tpu.memory_space<vmem>>, %arg8: memref<128x128xf32, #tpu.memory_space<vmem>>, %arg9: memref<!tpu.dma_semaphore, #tpu.memory_space<semaphore_mem>>) attributes {dimension_semantics = [#tpu.dimension_semantics<core_parallel>, #tpu.dimension_semantics<subcore_parallel>], iteration_bounds = array<i64: 2, 16>, scalar_prefetch = 0 : i64, scratch_operands = 3 : i64, tpu.core_type = #tpu.core_type<sc_vector_subcore>, window_params = [{transform_indices = #map}, {transform_indices = #map}, {transform_indices = #map}, {transform_indices = #map}, {transform_indices = #map1}]} {
    %mul3A = arith.constant 16 : i32
    %mul3A_0 = arith.muli %arg0, %mul3A : i32
    %add3A = arith.addi %mul3A_0, %arg1 : i32
    "tpu.region"() ({
      %run_scoped3A_25 = tpu.sem_alloc : memref<!tpu.dma_semaphore, #tpu.memory_space<semaphore_mem>>
      %dma_start3A_26 = arith.constant 0 : i32
      %dma_start3A_27 = tpu.memref_slice %arg5[%add3A, %dma_start3A_26] : memref<32x128xi32, #tpu.memory_space<hbm>> -> memref<1x128xi32, #tpu.memory_space<hbm>>
      %dma_start3A_28 = tpu.memref_squeeze %dma_start3A_27 : memref<1x128xi32, #tpu.memory_space<hbm>> -> memref<128xi32, #tpu.memory_space<hbm>>
      %dma_start3A_29 = arith.constant 0 : i32
      %dma_start3A_30 = tpu.memref_slice %arg5[%add3A, %dma_start3A_29] : memref<32x128xi32, #tpu.memory_space<hbm>> -> memref<1x128xi32, #tpu.memory_space<hbm>>
      %dma_start3A_31 = tpu.memref_squeeze %dma_start3A_30 : memref<1x128xi32, #tpu.memory_space<hbm>> -> memref<128xi32, #tpu.memory_space<hbm>>
      tpu.enqueue_dma source(%dma_start3A_31 : memref<128xi32, #tpu.memory_space<hbm>>) target(%arg7 : memref<128xi32, #tpu.memory_space<vmem>>) target_semaphore(%run_scoped3A_25 : memref<!tpu.dma_semaphore, #tpu.memory_space<semaphore_mem>>)
      %dma_wait3A_32 = arith.constant 0 : i32
      %dma_wait3A_33 = tpu.memref_slice %arg5[%add3A, %dma_wait3A_32] : memref<32x128xi32, #tpu.memory_space<hbm>> -> memref<1x128xi32, #tpu.memory_space<hbm>>
      %dma_wait3A_34 = tpu.memref_squeeze %dma_wait3A_33 : memref<1x128xi32, #tpu.memory_space<hbm>> -> memref<128xi32, #tpu.memory_space<hbm>>
      %dma_wait3A_35 = arith.constant 0 : i32
      %dma_wait3A_36 = tpu.memref_slice %arg5[%add3A, %dma_wait3A_35] : memref<32x128xi32, #tpu.memory_space<hbm>> -> memref<1x128xi32, #tpu.memory_space<hbm>>
      %dma_wait3A_37 = tpu.memref_squeeze %dma_wait3A_36 : memref<1x128xi32, #tpu.memory_space<hbm>> -> memref<128xi32, #tpu.memory_space<hbm>>
      tpu.wait_dma2 semaphore(%run_scoped3A_25 : memref<!tpu.dma_semaphore, #tpu.memory_space<semaphore_mem>>) src(%dma_wait3A_37 : memref<128xi32, #tpu.memory_space<hbm>>) dst(%arg7 : memref<128xi32, #tpu.memory_space<vmem>>)
      tpu.yield
    }) : () -> ()
    %dma_start3A = arith.constant 0 : i32
    %dma_start3A_1 = arith.constant 0 : i32
    %dma_start3A_2 = tpu.memref_slice %arg2[%dma_start3A, %dma_start3A_1] : memref<10240x128xf32, #tpu.memory_space<hbm>> -> memref<10240x128xf32, #tpu.memory_space<hbm>>
    tpu.enqueue_indirect_dma source(%dma_start3A_2 : memref<10240x128xf32, #tpu.memory_space<hbm>>) target(%arg8 : memref<128x128xf32, #tpu.memory_space<vmem>>) offsets(%arg7 : memref<128xi32, #tpu.memory_space<vmem>>) semaphore(%arg9 : memref<!tpu.dma_semaphore, #tpu.memory_space<semaphore_mem>>)
    %dma_wait3A = arith.constant 0 : i32
    %dma_wait3A_3 = arith.constant 0 : i32
    %dma_wait3A_4 = tpu.memref_slice %arg2[%dma_wait3A, %dma_wait3A_3] : memref<10240x128xf32, #tpu.memory_space<hbm>> -> memref<10240x128xf32, #tpu.memory_space<hbm>>
    tpu.wait_indirect_dma semaphore(%arg9 : memref<!tpu.dma_semaphore, #tpu.memory_space<semaphore_mem>>) src(%dma_wait3A_4 : memref<10240x128xf32, #tpu.memory_space<hbm>>) dst(%arg8 : memref<128x128xf32, #tpu.memory_space<vmem>>)
    %mul3A_5 = arith.constant 128 : i32
    %mul3A_6 = arith.muli %add3A, %mul3A_5 : i32
    %run_scoped3A = arith.constant 0 : i32
    "tpu.region"() ({
      %run_scoped3A_25 = tpu.sem_alloc : memref<!tpu.dma_semaphore, #tpu.memory_space<semaphore_mem>>
      %dma_start3A_26 = arith.constant 0 : i32
      %dma_start3A_27 = tpu.memref_slice %arg6[%run_scoped3A, %mul3A_6, %dma_start3A_26] : memref<3x4096x128xf32, #tpu.memory_space<hbm>> -> memref<1x128x128xf32, #tpu.memory_space<hbm>>
      %dma_start3A_28 = tpu.memref_squeeze %dma_start3A_27 : memref<1x128x128xf32, #tpu.memory_space<hbm>> -> memref<128x128xf32, #tpu.memory_space<hbm>>
      %dma_start3A_29 = arith.constant 0 : i32
      %dma_start3A_30 = tpu.memref_slice %arg6[%run_scoped3A, %mul3A_6, %dma_start3A_29] : memref<3x4096x128xf32, #tpu.memory_space<hbm>> -> memref<1x128x128xf32, #tpu.memory_space<hbm>>
      %dma_start3A_31 = tpu.memref_squeeze %dma_start3A_30 : memref<1x128x128xf32, #tpu.memory_space<hbm>> -> memref<128x128xf32, #tpu.memory_space<hbm>>
      tpu.enqueue_dma source(%arg8 : memref<128x128xf32, #tpu.memory_space<vmem>>) target(%dma_start3A_31 : memref<128x128xf32, #tpu.memory_space<hbm>>) target_semaphore(%run_scoped3A_25 : memref<!tpu.dma_semaphore, #tpu.memory_space<semaphore_mem>>)
      %dma_wait3A_32 = arith.constant 0 : i32
      %dma_wait3A_33 = tpu.memref_slice %arg6[%run_scoped3A, %mul3A_6, %dma_wait3A_32] : memref<3x4096x128xf32, #tpu.memory_space<hbm>> -> memref<1x128x128xf32, #tpu.memory_space<hbm>>
      %dma_wait3A_34 = tpu.memref_squeeze %dma_wait3A_33 : memref<1x128x128xf32, #tpu.memory_space<hbm>> -> memref<128x128xf32, #tpu.memory_space<hbm>>
      %dma_wait3A_35 = arith.constant 0 : i32
      %dma_wait3A_36 = tpu.memref_slice %arg6[%run_scoped3A, %mul3A_6, %dma_wait3A_35] : memref<3x4096x128xf32, #tpu.memory_space<hbm>> -> memref<1x128x128xf32, #tpu.memory_space<hbm>>
      %dma_wait3A_37 = tpu.memref_squeeze %dma_wait3A_36 : memref<1x128x128xf32, #tpu.memory_space<hbm>> -> memref<128x128xf32, #tpu.memory_space<hbm>>
      tpu.wait_dma2 semaphore(%run_scoped3A_25 : memref<!tpu.dma_semaphore, #tpu.memory_space<semaphore_mem>>) src(%arg8 : memref<128x128xf32, #tpu.memory_space<vmem>>) dst(%dma_wait3A_37 : memref<128x128xf32, #tpu.memory_space<hbm>>)
      tpu.yield
    }) : () -> ()
    %dma_start3A_7 = arith.constant 0 : i32
    %dma_start3A_8 = arith.constant 0 : i32
    %dma_start3A_9 = tpu.memref_slice %arg3[%dma_start3A_7, %dma_start3A_8] : memref<10240x128xf32, #tpu.memory_space<hbm>> -> memref<10240x128xf32, #tpu.memory_space<hbm>>
    tpu.enqueue_indirect_dma source(%dma_start3A_9 : memref<10240x128xf32, #tpu.memory_space<hbm>>) target(%arg8 : memref<128x128xf32, #tpu.memory_space<vmem>>) offsets(%arg7 : memref<128xi32, #tpu.memory_space<vmem>>) semaphore(%arg9 : memref<!tpu.dma_semaphore, #tpu.memory_space<semaphore_mem>>)
    %dma_wait3A_10 = arith.constant 0 : i32
    %dma_wait3A_11 = arith.constant 0 : i32
    %dma_wait3A_12 = tpu.memref_slice %arg3[%dma_wait3A_10, %dma_wait3A_11] : memref<10240x128xf32, #tpu.memory_space<hbm>> -> memref<10240x128xf32, #tpu.memory_space<hbm>>
    tpu.wait_indirect_dma semaphore(%arg9 : memref<!tpu.dma_semaphore, #tpu.memory_space<semaphore_mem>>) src(%dma_wait3A_12 : memref<10240x128xf32, #tpu.memory_space<hbm>>) dst(%arg8 : memref<128x128xf32, #tpu.memory_space<vmem>>)
    %mul3A_13 = arith.constant 128 : i32
    %mul3A_14 = arith.muli %add3A, %mul3A_13 : i32
    %run_scoped3A_15 = arith.constant 1 : i32
    "tpu.region"() ({
      %run_scoped3A_25 = tpu.sem_alloc : memref<!tpu.dma_semaphore, #tpu.memory_space<semaphore_mem>>
      %dma_start3A_26 = arith.constant 0 : i32
      %dma_start3A_27 = tpu.memref_slice %arg6[%run_scoped3A_15, %mul3A_14, %dma_start3A_26] : memref<3x4096x128xf32, #tpu.memory_space<hbm>> -> memref<1x128x128xf32, #tpu.memory_space<hbm>>
      %dma_start3A_28 = tpu.memref_squeeze %dma_start3A_27 : memref<1x128x128xf32, #tpu.memory_space<hbm>> -> memref<128x128xf32, #tpu.memory_space<hbm>>
      %dma_start3A_29 = arith.constant 0 : i32
      %dma_start3A_30 = tpu.memref_slice %arg6[%run_scoped3A_15, %mul3A_14, %dma_start3A_29] : memref<3x4096x128xf32, #tpu.memory_space<hbm>> -> memref<1x128x128xf32, #tpu.memory_space<hbm>>
      %dma_start3A_31 = tpu.memref_squeeze %dma_start3A_30 : memref<1x128x128xf32, #tpu.memory_space<hbm>> -> memref<128x128xf32, #tpu.memory_space<hbm>>
      tpu.enqueue_dma source(%arg8 : memref<128x128xf32, #tpu.memory_space<vmem>>) target(%dma_start3A_31 : memref<128x128xf32, #tpu.memory_space<hbm>>) target_semaphore(%run_scoped3A_25 : memref<!tpu.dma_semaphore, #tpu.memory_space<semaphore_mem>>)
      %dma_wait3A_32 = arith.constant 0 : i32
      %dma_wait3A_33 = tpu.memref_slice %arg6[%run_scoped3A_15, %mul3A_14, %dma_wait3A_32] : memref<3x4096x128xf32, #tpu.memory_space<hbm>> -> memref<1x128x128xf32, #tpu.memory_space<hbm>>
      %dma_wait3A_34 = tpu.memref_squeeze %dma_wait3A_33 : memref<1x128x128xf32, #tpu.memory_space<hbm>> -> memref<128x128xf32, #tpu.memory_space<hbm>>
      %dma_wait3A_35 = arith.constant 0 : i32
      %dma_wait3A_36 = tpu.memref_slice %arg6[%run_scoped3A_15, %mul3A_14, %dma_wait3A_35] : memref<3x4096x128xf32, #tpu.memory_space<hbm>> -> memref<1x128x128xf32, #tpu.memory_space<hbm>>
      %dma_wait3A_37 = tpu.memref_squeeze %dma_wait3A_36 : memref<1x128x128xf32, #tpu.memory_space<hbm>> -> memref<128x128xf32, #tpu.memory_space<hbm>>
      tpu.wait_dma2 semaphore(%run_scoped3A_25 : memref<!tpu.dma_semaphore, #tpu.memory_space<semaphore_mem>>) src(%arg8 : memref<128x128xf32, #tpu.memory_space<vmem>>) dst(%dma_wait3A_37 : memref<128x128xf32, #tpu.memory_space<hbm>>)
      tpu.yield
    }) : () -> ()
    %dma_start3A_16 = arith.constant 0 : i32
    %dma_start3A_17 = arith.constant 0 : i32
    %dma_start3A_18 = tpu.memref_slice %arg4[%dma_start3A_16, %dma_start3A_17] : memref<10000x128xf32, #tpu.memory_space<hbm>> -> memref<10000x128xf32, #tpu.memory_space<hbm>>
    tpu.enqueue_indirect_dma source(%dma_start3A_18 : memref<10000x128xf32, #tpu.memory_space<hbm>>) target(%arg8 : memref<128x128xf32, #tpu.memory_space<vmem>>) offsets(%arg7 : memref<128xi32, #tpu.memory_space<vmem>>) semaphore(%arg9 : memref<!tpu.dma_semaphore, #tpu.memory_space<semaphore_mem>>)
    %dma_wait3A_19 = arith.constant 0 : i32
    %dma_wait3A_20 = arith.constant 0 : i32
    %dma_wait3A_21 = tpu.memref_slice %arg4[%dma_wait3A_19, %dma_wait3A_20] : memref<10000x128xf32, #tpu.memory_space<hbm>> -> memref<10000x128xf32, #tpu.memory_space<hbm>>
    tpu.wait_indirect_dma semaphore(%arg9 : memref<!tpu.dma_semaphore, #tpu.memory_space<semaphore_mem>>) src(%dma_wait3A_21 : memref<10000x128xf32, #tpu.memory_space<hbm>>) dst(%arg8 : memref<128x128xf32, #tpu.memory_space<vmem>>)
    %mul3A_22 = arith.constant 128 : i32
    %mul3A_23 = arith.muli %add3A, %mul3A_22 : i32
    %run_scoped3A_24 = arith.constant 2 : i32
    "tpu.region"() ({
      %run_scoped3A_25 = tpu.sem_alloc : memref<!tpu.dma_semaphore, #tpu.memory_space<semaphore_mem>>
      %dma_start3A_26 = arith.constant 0 : i32
      %dma_start3A_27 = tpu.memref_slice %arg6[%run_scoped3A_24, %mul3A_23, %dma_start3A_26] : memref<3x4096x128xf32, #tpu.memory_space<hbm>> -> memref<1x128x128xf32, #tpu.memory_space<hbm>>
      %dma_start3A_28 = tpu.memref_squeeze %dma_start3A_27 : memref<1x128x128xf32, #tpu.memory_space<hbm>> -> memref<128x128xf32, #tpu.memory_space<hbm>>
      %dma_start3A_29 = arith.constant 0 : i32
      %dma_start3A_30 = tpu.memref_slice %arg6[%run_scoped3A_24, %mul3A_23, %dma_start3A_29] : memref<3x4096x128xf32, #tpu.memory_space<hbm>> -> memref<1x128x128xf32, #tpu.memory_space<hbm>>
      %dma_start3A_31 = tpu.memref_squeeze %dma_start3A_30 : memref<1x128x128xf32, #tpu.memory_space<hbm>> -> memref<128x128xf32, #tpu.memory_space<hbm>>
      tpu.enqueue_dma source(%arg8 : memref<128x128xf32, #tpu.memory_space<vmem>>) target(%dma_start3A_31 : memref<128x128xf32, #tpu.memory_space<hbm>>) target_semaphore(%run_scoped3A_25 : memref<!tpu.dma_semaphore, #tpu.memory_space<semaphore_mem>>)
      %dma_wait3A_32 = arith.constant 0 : i32
      %dma_wait3A_33 = tpu.memref_slice %arg6[%run_scoped3A_24, %mul3A_23, %dma_wait3A_32] : memref<3x4096x128xf32, #tpu.memory_space<hbm>> -> memref<1x128x128xf32, #tpu.memory_space<hbm>>
      %dma_wait3A_34 = tpu.memref_squeeze %dma_wait3A_33 : memref<1x128x128xf32, #tpu.memory_space<hbm>> -> memref<128x128xf32, #tpu.memory_space<hbm>>
      %dma_wait3A_35 = arith.constant 0 : i32
      %dma_wait3A_36 = tpu.memref_slice %arg6[%run_scoped3A_24, %mul3A_23, %dma_wait3A_35] : memref<3x4096x128xf32, #tpu.memory_space<hbm>> -> memref<1x128x128xf32, #tpu.memory_space<hbm>>
      %dma_wait3A_37 = tpu.memref_squeeze %dma_wait3A_36 : memref<1x128x128xf32, #tpu.memory_space<hbm>> -> memref<128x128xf32, #tpu.memory_space<hbm>>
      tpu.wait_dma2 semaphore(%run_scoped3A_25 : memref<!tpu.dma_semaphore, #tpu.memory_space<semaphore_mem>>) src(%arg8 : memref<128x128xf32, #tpu.memory_space<vmem>>) dst(%dma_wait3A_37 : memref<128x128xf32, #tpu.memory_space<hbm>>)
      tpu.yield
    }) : () -> ()
    return
  }
}

#map = affine_map<(d0, d1) -> (0, 0)>
#map1 = affine_map<(d0, d1) -> (0, 0, 0)>
module attributes {stable_mosaic.version = 14 : i64} {
  func.func @_spmm_body(%arg0: i32, %arg1: i32, %arg2: memref<10000x128xf32, #tpu.memory_space<hbm>>, %arg3: memref<32x80x128xi32, #tpu.memory_space<hbm>>, %arg4: memref<32x80x128xi32, #tpu.memory_space<hbm>>, %arg5: memref<10240x128xf32, #tpu.memory_space<hbm>>, %arg6: memref<2x10240x128xf32, #tpu.memory_space<hbm>>, %arg7: memref<80x128xi32, #tpu.memory_space<vmem>>, %arg8: memref<80x128xi32, #tpu.memory_space<vmem>>, %arg9: memref<128x128xf32, #tpu.memory_space<vmem>>, %arg10: memref<10240x128xf32, #tpu.memory_space<vmem_shared>>, %arg11: memref<!tpu.dma_semaphore, #tpu.memory_space<semaphore_mem>>) attributes {dimension_semantics = [#tpu.dimension_semantics<core_parallel>, #tpu.dimension_semantics<subcore_parallel>], iteration_bounds = array<i64: 2, 16>, scalar_prefetch = 0 : i64, scratch_operands = 5 : i64, tpu.core_type = #tpu.core_type<sc_vector_subcore>, window_params = [{transform_indices = #map}, {transform_indices = #map1}, {transform_indices = #map1}, {transform_indices = #map}, {transform_indices = #map1}]} {
    %mul3A = arith.constant 16 : i32
    %mul3A_0 = arith.muli %arg0, %mul3A : i32
    %add3A = arith.addi %mul3A_0, %arg1 : i32
    "tpu.region"() ({
      %run_scoped3A = tpu.sem_alloc : memref<!tpu.dma_semaphore, #tpu.memory_space<semaphore_mem>>
      %dma_start3A = arith.constant 0 : i32
      %dma_start3A_15 = arith.constant 0 : i32
      %dma_start3A_16 = tpu.memref_slice %arg3[%add3A, %dma_start3A, %dma_start3A_15] : memref<32x80x128xi32, #tpu.memory_space<hbm>> -> memref<1x80x128xi32, #tpu.memory_space<hbm>>
      %dma_start3A_17 = tpu.memref_squeeze %dma_start3A_16 : memref<1x80x128xi32, #tpu.memory_space<hbm>> -> memref<80x128xi32, #tpu.memory_space<hbm>>
      %dma_start3A_18 = arith.constant 0 : i32
      %dma_start3A_19 = arith.constant 0 : i32
      %dma_start3A_20 = tpu.memref_slice %arg3[%add3A, %dma_start3A_18, %dma_start3A_19] : memref<32x80x128xi32, #tpu.memory_space<hbm>> -> memref<1x80x128xi32, #tpu.memory_space<hbm>>
      %dma_start3A_21 = tpu.memref_squeeze %dma_start3A_20 : memref<1x80x128xi32, #tpu.memory_space<hbm>> -> memref<80x128xi32, #tpu.memory_space<hbm>>
      tpu.enqueue_dma source(%dma_start3A_21 : memref<80x128xi32, #tpu.memory_space<hbm>>) target(%arg7 : memref<80x128xi32, #tpu.memory_space<vmem>>) target_semaphore(%run_scoped3A : memref<!tpu.dma_semaphore, #tpu.memory_space<semaphore_mem>>)
      %dma_wait3A = arith.constant 0 : i32
      %dma_wait3A_22 = arith.constant 0 : i32
      %dma_wait3A_23 = tpu.memref_slice %arg3[%add3A, %dma_wait3A, %dma_wait3A_22] : memref<32x80x128xi32, #tpu.memory_space<hbm>> -> memref<1x80x128xi32, #tpu.memory_space<hbm>>
      %dma_wait3A_24 = tpu.memref_squeeze %dma_wait3A_23 : memref<1x80x128xi32, #tpu.memory_space<hbm>> -> memref<80x128xi32, #tpu.memory_space<hbm>>
      %dma_wait3A_25 = arith.constant 0 : i32
      %dma_wait3A_26 = arith.constant 0 : i32
      %dma_wait3A_27 = tpu.memref_slice %arg3[%add3A, %dma_wait3A_25, %dma_wait3A_26] : memref<32x80x128xi32, #tpu.memory_space<hbm>> -> memref<1x80x128xi32, #tpu.memory_space<hbm>>
      %dma_wait3A_28 = tpu.memref_squeeze %dma_wait3A_27 : memref<1x80x128xi32, #tpu.memory_space<hbm>> -> memref<80x128xi32, #tpu.memory_space<hbm>>
      tpu.wait_dma2 semaphore(%run_scoped3A : memref<!tpu.dma_semaphore, #tpu.memory_space<semaphore_mem>>) src(%dma_wait3A_28 : memref<80x128xi32, #tpu.memory_space<hbm>>) dst(%arg7 : memref<80x128xi32, #tpu.memory_space<vmem>>)
      tpu.yield
    }) : () -> ()
    "tpu.region"() ({
      %run_scoped3A = tpu.sem_alloc : memref<!tpu.dma_semaphore, #tpu.memory_space<semaphore_mem>>
      %dma_start3A = arith.constant 0 : i32
      %dma_start3A_15 = arith.constant 0 : i32
      %dma_start3A_16 = tpu.memref_slice %arg4[%add3A, %dma_start3A, %dma_start3A_15] : memref<32x80x128xi32, #tpu.memory_space<hbm>> -> memref<1x80x128xi32, #tpu.memory_space<hbm>>
      %dma_start3A_17 = tpu.memref_squeeze %dma_start3A_16 : memref<1x80x128xi32, #tpu.memory_space<hbm>> -> memref<80x128xi32, #tpu.memory_space<hbm>>
      %dma_start3A_18 = arith.constant 0 : i32
      %dma_start3A_19 = arith.constant 0 : i32
      %dma_start3A_20 = tpu.memref_slice %arg4[%add3A, %dma_start3A_18, %dma_start3A_19] : memref<32x80x128xi32, #tpu.memory_space<hbm>> -> memref<1x80x128xi32, #tpu.memory_space<hbm>>
      %dma_start3A_21 = tpu.memref_squeeze %dma_start3A_20 : memref<1x80x128xi32, #tpu.memory_space<hbm>> -> memref<80x128xi32, #tpu.memory_space<hbm>>
      tpu.enqueue_dma source(%dma_start3A_21 : memref<80x128xi32, #tpu.memory_space<hbm>>) target(%arg8 : memref<80x128xi32, #tpu.memory_space<vmem>>) target_semaphore(%run_scoped3A : memref<!tpu.dma_semaphore, #tpu.memory_space<semaphore_mem>>)
      %dma_wait3A = arith.constant 0 : i32
      %dma_wait3A_22 = arith.constant 0 : i32
      %dma_wait3A_23 = tpu.memref_slice %arg4[%add3A, %dma_wait3A, %dma_wait3A_22] : memref<32x80x128xi32, #tpu.memory_space<hbm>> -> memref<1x80x128xi32, #tpu.memory_space<hbm>>
      %dma_wait3A_24 = tpu.memref_squeeze %dma_wait3A_23 : memref<1x80x128xi32, #tpu.memory_space<hbm>> -> memref<80x128xi32, #tpu.memory_space<hbm>>
      %dma_wait3A_25 = arith.constant 0 : i32
      %dma_wait3A_26 = arith.constant 0 : i32
      %dma_wait3A_27 = tpu.memref_slice %arg4[%add3A, %dma_wait3A_25, %dma_wait3A_26] : memref<32x80x128xi32, #tpu.memory_space<hbm>> -> memref<1x80x128xi32, #tpu.memory_space<hbm>>
      %dma_wait3A_28 = tpu.memref_squeeze %dma_wait3A_27 : memref<1x80x128xi32, #tpu.memory_space<hbm>> -> memref<80x128xi32, #tpu.memory_space<hbm>>
      tpu.wait_dma2 semaphore(%run_scoped3A : memref<!tpu.dma_semaphore, #tpu.memory_space<semaphore_mem>>) src(%dma_wait3A_28 : memref<80x128xi32, #tpu.memory_space<hbm>>) dst(%arg8 : memref<80x128xi32, #tpu.memory_space<vmem>>)
      tpu.yield
    }) : () -> ()
    %mul3A_1 = arith.constant 640 : i32
    %mul3A_2 = arith.muli %arg1, %mul3A_1 : i32
    %mul3A_3 = arith.constant 640 : i32
    %mul3A_4 = arith.muli %arg1, %mul3A_3 : i32
    "tpu.region"() ({
      %run_scoped3A = tpu.sem_alloc : memref<!tpu.dma_semaphore, #tpu.memory_space<semaphore_mem>>
      %dma_start3A = arith.constant 0 : i32
      %dma_start3A_15 = tpu.memref_slice %arg10[%mul3A_4, %dma_start3A] : memref<10240x128xf32, #tpu.memory_space<vmem_shared>> -> memref<640x128xf32, #tpu.memory_space<vmem_shared>>
      %dma_start3A_16 = arith.constant 0 : i32
      %dma_start3A_17 = tpu.memref_slice %arg5[%mul3A_2, %dma_start3A_16] : memref<10240x128xf32, #tpu.memory_space<hbm>> -> memref<640x128xf32, #tpu.memory_space<hbm>>
      tpu.enqueue_dma source(%dma_start3A_17 : memref<640x128xf32, #tpu.memory_space<hbm>>) target(%dma_start3A_15 : memref<640x128xf32, #tpu.memory_space<vmem_shared>>) target_semaphore(%run_scoped3A : memref<!tpu.dma_semaphore, #tpu.memory_space<semaphore_mem>>)
      %dma_wait3A = arith.constant 0 : i32
      %dma_wait3A_18 = tpu.memref_slice %arg10[%mul3A_4, %dma_wait3A] : memref<10240x128xf32, #tpu.memory_space<vmem_shared>> -> memref<640x128xf32, #tpu.memory_space<vmem_shared>>
      %dma_wait3A_19 = arith.constant 0 : i32
      %dma_wait3A_20 = tpu.memref_slice %arg5[%mul3A_2, %dma_wait3A_19] : memref<10240x128xf32, #tpu.memory_space<hbm>> -> memref<640x128xf32, #tpu.memory_space<hbm>>
      tpu.wait_dma2 semaphore(%run_scoped3A : memref<!tpu.dma_semaphore, #tpu.memory_space<semaphore_mem>>) src(%dma_wait3A_20 : memref<640x128xf32, #tpu.memory_space<hbm>>) dst(%dma_wait3A_18 : memref<640x128xf32, #tpu.memory_space<vmem_shared>>)
      tpu.yield
    }) : () -> ()
    %barrier3A = arith.constant 0 : index
    tpu.barrier barrier_id(%barrier3A)
    %scan3A = arith.constant 0 : i32
    %scan3A_5 = arith.constant 0 : i32
    %scan3A_6 = arith.constant 80 : i32
    %scan3A_7 = arith.addi %scan3A_5, %scan3A_6 : i32
    %scan3A_8 = arith.constant 1 : i32
    scf.for %scan3A_15 = %scan3A_5 to %scan3A_7 step %scan3A_8  : i32 {
      %dma_start3A = arith.constant 0 : i32
      %dma_start3A_16 = tpu.memref_slice %arg8[%scan3A_15, %dma_start3A] : memref<80x128xi32, #tpu.memory_space<vmem>> -> memref<1x128xi32, #tpu.memory_space<vmem>>
      %dma_start3A_17 = tpu.memref_squeeze %dma_start3A_16 : memref<1x128xi32, #tpu.memory_space<vmem>> -> memref<128xi32, #tpu.memory_space<vmem>>
      %dma_start3A_18 = arith.constant 0 : i32
      %dma_start3A_19 = arith.constant 0 : i32
      %dma_start3A_20 = tpu.memref_slice %arg2[%dma_start3A_18, %dma_start3A_19] : memref<10000x128xf32, #tpu.memory_space<hbm>> -> memref<10000x128xf32, #tpu.memory_space<hbm>>
      tpu.enqueue_indirect_dma source(%dma_start3A_20 : memref<10000x128xf32, #tpu.memory_space<hbm>>) target(%arg9 : memref<128x128xf32, #tpu.memory_space<vmem>>) offsets(%dma_start3A_17 : memref<128xi32, #tpu.memory_space<vmem>>) semaphore(%arg11 : memref<!tpu.dma_semaphore, #tpu.memory_space<semaphore_mem>>)
      %dma_wait3A = arith.constant 0 : i32
      %dma_wait3A_21 = tpu.memref_slice %arg8[%scan3A_15, %dma_wait3A] : memref<80x128xi32, #tpu.memory_space<vmem>> -> memref<1x128xi32, #tpu.memory_space<vmem>>
      %dma_wait3A_22 = tpu.memref_squeeze %dma_wait3A_21 : memref<1x128xi32, #tpu.memory_space<vmem>> -> memref<128xi32, #tpu.memory_space<vmem>>
      %dma_wait3A_23 = arith.constant 0 : i32
      %dma_wait3A_24 = arith.constant 0 : i32
      %dma_wait3A_25 = tpu.memref_slice %arg2[%dma_wait3A_23, %dma_wait3A_24] : memref<10000x128xf32, #tpu.memory_space<hbm>> -> memref<10000x128xf32, #tpu.memory_space<hbm>>
      tpu.wait_indirect_dma semaphore(%arg11 : memref<!tpu.dma_semaphore, #tpu.memory_space<semaphore_mem>>) src(%dma_wait3A_25 : memref<10000x128xf32, #tpu.memory_space<hbm>>) dst(%arg9 : memref<128x128xf32, #tpu.memory_space<vmem>>)
      "tpu.region"() ({
        %run_scoped3A = tpu.sem_alloc : memref<!tpu.dma_semaphore, #tpu.memory_space<semaphore_mem>>
        %dma_start3A_26 = arith.constant 0 : i32
        %dma_start3A_27 = tpu.memref_slice %arg7[%scan3A_15, %dma_start3A_26] : memref<80x128xi32, #tpu.memory_space<vmem>> -> memref<1x128xi32, #tpu.memory_space<vmem>>
        %dma_start3A_28 = tpu.memref_squeeze %dma_start3A_27 : memref<1x128xi32, #tpu.memory_space<vmem>> -> memref<128xi32, #tpu.memory_space<vmem>>
        %dma_start3A_29 = arith.constant 0 : i32
        %dma_start3A_30 = arith.constant 0 : i32
        %dma_start3A_31 = tpu.memref_slice %arg10[%dma_start3A_29, %dma_start3A_30] : memref<10240x128xf32, #tpu.memory_space<vmem_shared>> -> memref<10240x128xf32, #tpu.memory_space<vmem_shared>>
        tpu.enqueue_indirect_dma source(%arg9 : memref<128x128xf32, #tpu.memory_space<vmem>>) target(%dma_start3A_31 : memref<10240x128xf32, #tpu.memory_space<vmem_shared>>) offsets(%dma_start3A_28 : memref<128xi32, #tpu.memory_space<vmem>>) semaphore(%run_scoped3A : memref<!tpu.dma_semaphore, #tpu.memory_space<semaphore_mem>>) {add = true}
        %dma_wait3A_32 = arith.constant 0 : i32
        %dma_wait3A_33 = tpu.memref_slice %arg7[%scan3A_15, %dma_wait3A_32] : memref<80x128xi32, #tpu.memory_space<vmem>> -> memref<1x128xi32, #tpu.memory_space<vmem>>
        %dma_wait3A_34 = tpu.memref_squeeze %dma_wait3A_33 : memref<1x128xi32, #tpu.memory_space<vmem>> -> memref<128xi32, #tpu.memory_space<vmem>>
        %dma_wait3A_35 = arith.constant 0 : i32
        %dma_wait3A_36 = arith.constant 0 : i32
        %dma_wait3A_37 = tpu.memref_slice %arg10[%dma_wait3A_35, %dma_wait3A_36] : memref<10240x128xf32, #tpu.memory_space<vmem_shared>> -> memref<10240x128xf32, #tpu.memory_space<vmem_shared>>
        tpu.wait_indirect_dma semaphore(%run_scoped3A : memref<!tpu.dma_semaphore, #tpu.memory_space<semaphore_mem>>) src(%arg9 : memref<128x128xf32, #tpu.memory_space<vmem>>) dst(%dma_wait3A_37 : memref<10240x128xf32, #tpu.memory_space<vmem_shared>>)
        tpu.yield
      }) : () -> ()
    }
    %scan3A_9 = arith.constant 80 : i32
    %barrier3A_10 = arith.constant 0 : index
    tpu.barrier barrier_id(%barrier3A_10)
    %mul3A_11 = arith.constant 640 : i32
    %mul3A_12 = arith.muli %arg1, %mul3A_11 : i32
    %mul3A_13 = arith.constant 640 : i32
    %mul3A_14 = arith.muli %arg1, %mul3A_13 : i32
    "tpu.region"() ({
      %run_scoped3A = tpu.sem_alloc : memref<!tpu.dma_semaphore, #tpu.memory_space<semaphore_mem>>
      %dma_start3A = arith.constant 0 : i32
      %dma_start3A_15 = tpu.memref_slice %arg6[%arg0, %mul3A_14, %dma_start3A] : memref<2x10240x128xf32, #tpu.memory_space<hbm>> -> memref<1x640x128xf32, #tpu.memory_space<hbm>>
      %dma_start3A_16 = tpu.memref_squeeze %dma_start3A_15 : memref<1x640x128xf32, #tpu.memory_space<hbm>> -> memref<640x128xf32, #tpu.memory_space<hbm>>
      %dma_start3A_17 = arith.constant 0 : i32
      %dma_start3A_18 = tpu.memref_slice %arg10[%mul3A_12, %dma_start3A_17] : memref<10240x128xf32, #tpu.memory_space<vmem_shared>> -> memref<640x128xf32, #tpu.memory_space<vmem_shared>>
      tpu.enqueue_dma source(%dma_start3A_18 : memref<640x128xf32, #tpu.memory_space<vmem_shared>>) target(%dma_start3A_16 : memref<640x128xf32, #tpu.memory_space<hbm>>) target_semaphore(%run_scoped3A : memref<!tpu.dma_semaphore, #tpu.memory_space<semaphore_mem>>)
      %dma_wait3A = arith.constant 0 : i32
      %dma_wait3A_19 = tpu.memref_slice %arg6[%arg0, %mul3A_14, %dma_wait3A] : memref<2x10240x128xf32, #tpu.memory_space<hbm>> -> memref<1x640x128xf32, #tpu.memory_space<hbm>>
      %dma_wait3A_20 = tpu.memref_squeeze %dma_wait3A_19 : memref<1x640x128xf32, #tpu.memory_space<hbm>> -> memref<640x128xf32, #tpu.memory_space<hbm>>
      %dma_wait3A_21 = arith.constant 0 : i32
      %dma_wait3A_22 = tpu.memref_slice %arg10[%mul3A_12, %dma_wait3A_21] : memref<10240x128xf32, #tpu.memory_space<vmem_shared>> -> memref<640x128xf32, #tpu.memory_space<vmem_shared>>
      tpu.wait_dma2 semaphore(%run_scoped3A : memref<!tpu.dma_semaphore, #tpu.memory_space<semaphore_mem>>) src(%dma_wait3A_22 : memref<640x128xf32, #tpu.memory_space<vmem_shared>>) dst(%dma_wait3A_20 : memref<640x128xf32, #tpu.memory_space<hbm>>)
      tpu.yield
    }) : () -> ()
    return
  }
}

#map = affine_map<(d0, d1) -> (0, 0)>
#map1 = affine_map<(d0, d1) -> (0, 0, 0)>
module attributes {stable_mosaic.version = 14 : i64} {
  func.func @_spmm_body(%arg0: i32, %arg1: i32, %arg2: memref<10000x128xf32, #tpu.memory_space<hbm>>, %arg3: memref<32x80x128xi32, #tpu.memory_space<hbm>>, %arg4: memref<32x80x128xi32, #tpu.memory_space<hbm>>, %arg5: memref<10240x128xf32, #tpu.memory_space<hbm>>, %arg6: memref<2x10240x128xf32, #tpu.memory_space<hbm>>, %arg7: memref<80x128xi32, #tpu.memory_space<vmem>>, %arg8: memref<80x128xi32, #tpu.memory_space<vmem>>, %arg9: memref<128x128xf32, #tpu.memory_space<vmem>>, %arg10: memref<10240x128xf32, #tpu.memory_space<vmem_shared>>, %arg11: memref<!tpu.dma_semaphore, #tpu.memory_space<semaphore_mem>>) attributes {dimension_semantics = [#tpu.dimension_semantics<core_parallel>, #tpu.dimension_semantics<subcore_parallel>], iteration_bounds = array<i64: 2, 16>, scalar_prefetch = 0 : i64, scratch_operands = 5 : i64, tpu.core_type = #tpu.core_type<sc_vector_subcore>, window_params = [{transform_indices = #map}, {transform_indices = #map1}, {transform_indices = #map1}, {transform_indices = #map}, {transform_indices = #map1}]} {
    %mul3A = arith.constant 16 : i32
    %mul3A_0 = arith.muli %arg0, %mul3A : i32
    %add3A = arith.addi %mul3A_0, %arg1 : i32
    "tpu.region"() ({
      %run_scoped3A = tpu.sem_alloc : memref<!tpu.dma_semaphore, #tpu.memory_space<semaphore_mem>>
      %dma_start3A = arith.constant 0 : i32
      %dma_start3A_15 = arith.constant 0 : i32
      %dma_start3A_16 = tpu.memref_slice %arg3[%add3A, %dma_start3A, %dma_start3A_15] : memref<32x80x128xi32, #tpu.memory_space<hbm>> -> memref<1x80x128xi32, #tpu.memory_space<hbm>>
      %dma_start3A_17 = tpu.memref_squeeze %dma_start3A_16 : memref<1x80x128xi32, #tpu.memory_space<hbm>> -> memref<80x128xi32, #tpu.memory_space<hbm>>
      %dma_start3A_18 = arith.constant 0 : i32
      %dma_start3A_19 = arith.constant 0 : i32
      %dma_start3A_20 = tpu.memref_slice %arg3[%add3A, %dma_start3A_18, %dma_start3A_19] : memref<32x80x128xi32, #tpu.memory_space<hbm>> -> memref<1x80x128xi32, #tpu.memory_space<hbm>>
      %dma_start3A_21 = tpu.memref_squeeze %dma_start3A_20 : memref<1x80x128xi32, #tpu.memory_space<hbm>> -> memref<80x128xi32, #tpu.memory_space<hbm>>
      tpu.enqueue_dma source(%dma_start3A_21 : memref<80x128xi32, #tpu.memory_space<hbm>>) target(%arg7 : memref<80x128xi32, #tpu.memory_space<vmem>>) target_semaphore(%run_scoped3A : memref<!tpu.dma_semaphore, #tpu.memory_space<semaphore_mem>>)
      %dma_wait3A = arith.constant 0 : i32
      %dma_wait3A_22 = arith.constant 0 : i32
      %dma_wait3A_23 = tpu.memref_slice %arg3[%add3A, %dma_wait3A, %dma_wait3A_22] : memref<32x80x128xi32, #tpu.memory_space<hbm>> -> memref<1x80x128xi32, #tpu.memory_space<hbm>>
      %dma_wait3A_24 = tpu.memref_squeeze %dma_wait3A_23 : memref<1x80x128xi32, #tpu.memory_space<hbm>> -> memref<80x128xi32, #tpu.memory_space<hbm>>
      %dma_wait3A_25 = arith.constant 0 : i32
      %dma_wait3A_26 = arith.constant 0 : i32
      %dma_wait3A_27 = tpu.memref_slice %arg3[%add3A, %dma_wait3A_25, %dma_wait3A_26] : memref<32x80x128xi32, #tpu.memory_space<hbm>> -> memref<1x80x128xi32, #tpu.memory_space<hbm>>
      %dma_wait3A_28 = tpu.memref_squeeze %dma_wait3A_27 : memref<1x80x128xi32, #tpu.memory_space<hbm>> -> memref<80x128xi32, #tpu.memory_space<hbm>>
      tpu.wait_dma2 semaphore(%run_scoped3A : memref<!tpu.dma_semaphore, #tpu.memory_space<semaphore_mem>>) src(%dma_wait3A_28 : memref<80x128xi32, #tpu.memory_space<hbm>>) dst(%arg7 : memref<80x128xi32, #tpu.memory_space<vmem>>)
      tpu.yield
    }) : () -> ()
    "tpu.region"() ({
      %run_scoped3A = tpu.sem_alloc : memref<!tpu.dma_semaphore, #tpu.memory_space<semaphore_mem>>
      %dma_start3A = arith.constant 0 : i32
      %dma_start3A_15 = arith.constant 0 : i32
      %dma_start3A_16 = tpu.memref_slice %arg4[%add3A, %dma_start3A, %dma_start3A_15] : memref<32x80x128xi32, #tpu.memory_space<hbm>> -> memref<1x80x128xi32, #tpu.memory_space<hbm>>
      %dma_start3A_17 = tpu.memref_squeeze %dma_start3A_16 : memref<1x80x128xi32, #tpu.memory_space<hbm>> -> memref<80x128xi32, #tpu.memory_space<hbm>>
      %dma_start3A_18 = arith.constant 0 : i32
      %dma_start3A_19 = arith.constant 0 : i32
      %dma_start3A_20 = tpu.memref_slice %arg4[%add3A, %dma_start3A_18, %dma_start3A_19] : memref<32x80x128xi32, #tpu.memory_space<hbm>> -> memref<1x80x128xi32, #tpu.memory_space<hbm>>
      %dma_start3A_21 = tpu.memref_squeeze %dma_start3A_20 : memref<1x80x128xi32, #tpu.memory_space<hbm>> -> memref<80x128xi32, #tpu.memory_space<hbm>>
      tpu.enqueue_dma source(%dma_start3A_21 : memref<80x128xi32, #tpu.memory_space<hbm>>) target(%arg8 : memref<80x128xi32, #tpu.memory_space<vmem>>) target_semaphore(%run_scoped3A : memref<!tpu.dma_semaphore, #tpu.memory_space<semaphore_mem>>)
      %dma_wait3A = arith.constant 0 : i32
      %dma_wait3A_22 = arith.constant 0 : i32
      %dma_wait3A_23 = tpu.memref_slice %arg4[%add3A, %dma_wait3A, %dma_wait3A_22] : memref<32x80x128xi32, #tpu.memory_space<hbm>> -> memref<1x80x128xi32, #tpu.memory_space<hbm>>
      %dma_wait3A_24 = tpu.memref_squeeze %dma_wait3A_23 : memref<1x80x128xi32, #tpu.memory_space<hbm>> -> memref<80x128xi32, #tpu.memory_space<hbm>>
      %dma_wait3A_25 = arith.constant 0 : i32
      %dma_wait3A_26 = arith.constant 0 : i32
      %dma_wait3A_27 = tpu.memref_slice %arg4[%add3A, %dma_wait3A_25, %dma_wait3A_26] : memref<32x80x128xi32, #tpu.memory_space<hbm>> -> memref<1x80x128xi32, #tpu.memory_space<hbm>>
      %dma_wait3A_28 = tpu.memref_squeeze %dma_wait3A_27 : memref<1x80x128xi32, #tpu.memory_space<hbm>> -> memref<80x128xi32, #tpu.memory_space<hbm>>
      tpu.wait_dma2 semaphore(%run_scoped3A : memref<!tpu.dma_semaphore, #tpu.memory_space<semaphore_mem>>) src(%dma_wait3A_28 : memref<80x128xi32, #tpu.memory_space<hbm>>) dst(%arg8 : memref<80x128xi32, #tpu.memory_space<vmem>>)
      tpu.yield
    }) : () -> ()
    %mul3A_1 = arith.constant 640 : i32
    %mul3A_2 = arith.muli %arg1, %mul3A_1 : i32
    %mul3A_3 = arith.constant 640 : i32
    %mul3A_4 = arith.muli %arg1, %mul3A_3 : i32
    "tpu.region"() ({
      %run_scoped3A = tpu.sem_alloc : memref<!tpu.dma_semaphore, #tpu.memory_space<semaphore_mem>>
      %dma_start3A = arith.constant 0 : i32
      %dma_start3A_15 = tpu.memref_slice %arg10[%mul3A_4, %dma_start3A] : memref<10240x128xf32, #tpu.memory_space<vmem_shared>> -> memref<640x128xf32, #tpu.memory_space<vmem_shared>>
      %dma_start3A_16 = arith.constant 0 : i32
      %dma_start3A_17 = tpu.memref_slice %arg5[%mul3A_2, %dma_start3A_16] : memref<10240x128xf32, #tpu.memory_space<hbm>> -> memref<640x128xf32, #tpu.memory_space<hbm>>
      tpu.enqueue_dma source(%dma_start3A_17 : memref<640x128xf32, #tpu.memory_space<hbm>>) target(%dma_start3A_15 : memref<640x128xf32, #tpu.memory_space<vmem_shared>>) target_semaphore(%run_scoped3A : memref<!tpu.dma_semaphore, #tpu.memory_space<semaphore_mem>>)
      %dma_wait3A = arith.constant 0 : i32
      %dma_wait3A_18 = tpu.memref_slice %arg10[%mul3A_4, %dma_wait3A] : memref<10240x128xf32, #tpu.memory_space<vmem_shared>> -> memref<640x128xf32, #tpu.memory_space<vmem_shared>>
      %dma_wait3A_19 = arith.constant 0 : i32
      %dma_wait3A_20 = tpu.memref_slice %arg5[%mul3A_2, %dma_wait3A_19] : memref<10240x128xf32, #tpu.memory_space<hbm>> -> memref<640x128xf32, #tpu.memory_space<hbm>>
      tpu.wait_dma2 semaphore(%run_scoped3A : memref<!tpu.dma_semaphore, #tpu.memory_space<semaphore_mem>>) src(%dma_wait3A_20 : memref<640x128xf32, #tpu.memory_space<hbm>>) dst(%dma_wait3A_18 : memref<640x128xf32, #tpu.memory_space<vmem_shared>>)
      tpu.yield
    }) : () -> ()
    %barrier3A = arith.constant 0 : index
    tpu.barrier barrier_id(%barrier3A)
    %scan3A = arith.constant 0 : i32
    %scan3A_5 = arith.constant 0 : i32
    %scan3A_6 = arith.constant 80 : i32
    %scan3A_7 = arith.addi %scan3A_5, %scan3A_6 : i32
    %scan3A_8 = arith.constant 1 : i32
    scf.for %scan3A_15 = %scan3A_5 to %scan3A_7 step %scan3A_8  : i32 {
      %dma_start3A = arith.constant 0 : i32
      %dma_start3A_16 = tpu.memref_slice %arg8[%scan3A_15, %dma_start3A] : memref<80x128xi32, #tpu.memory_space<vmem>> -> memref<1x128xi32, #tpu.memory_space<vmem>>
      %dma_start3A_17 = tpu.memref_squeeze %dma_start3A_16 : memref<1x128xi32, #tpu.memory_space<vmem>> -> memref<128xi32, #tpu.memory_space<vmem>>
      %dma_start3A_18 = arith.constant 0 : i32
      %dma_start3A_19 = arith.constant 0 : i32
      %dma_start3A_20 = tpu.memref_slice %arg2[%dma_start3A_18, %dma_start3A_19] : memref<10000x128xf32, #tpu.memory_space<hbm>> -> memref<10000x128xf32, #tpu.memory_space<hbm>>
      tpu.enqueue_indirect_dma source(%dma_start3A_20 : memref<10000x128xf32, #tpu.memory_space<hbm>>) target(%arg9 : memref<128x128xf32, #tpu.memory_space<vmem>>) offsets(%dma_start3A_17 : memref<128xi32, #tpu.memory_space<vmem>>) semaphore(%arg11 : memref<!tpu.dma_semaphore, #tpu.memory_space<semaphore_mem>>)
      %dma_wait3A = arith.constant 0 : i32
      %dma_wait3A_21 = tpu.memref_slice %arg8[%scan3A_15, %dma_wait3A] : memref<80x128xi32, #tpu.memory_space<vmem>> -> memref<1x128xi32, #tpu.memory_space<vmem>>
      %dma_wait3A_22 = tpu.memref_squeeze %dma_wait3A_21 : memref<1x128xi32, #tpu.memory_space<vmem>> -> memref<128xi32, #tpu.memory_space<vmem>>
      %dma_wait3A_23 = arith.constant 0 : i32
      %dma_wait3A_24 = arith.constant 0 : i32
      %dma_wait3A_25 = tpu.memref_slice %arg2[%dma_wait3A_23, %dma_wait3A_24] : memref<10000x128xf32, #tpu.memory_space<hbm>> -> memref<10000x128xf32, #tpu.memory_space<hbm>>
      tpu.wait_indirect_dma semaphore(%arg11 : memref<!tpu.dma_semaphore, #tpu.memory_space<semaphore_mem>>) src(%dma_wait3A_25 : memref<10000x128xf32, #tpu.memory_space<hbm>>) dst(%arg9 : memref<128x128xf32, #tpu.memory_space<vmem>>)
      "tpu.region"() ({
        %run_scoped3A = tpu.sem_alloc : memref<!tpu.dma_semaphore, #tpu.memory_space<semaphore_mem>>
        %dma_start3A_26 = arith.constant 0 : i32
        %dma_start3A_27 = tpu.memref_slice %arg7[%scan3A_15, %dma_start3A_26] : memref<80x128xi32, #tpu.memory_space<vmem>> -> memref<1x128xi32, #tpu.memory_space<vmem>>
        %dma_start3A_28 = tpu.memref_squeeze %dma_start3A_27 : memref<1x128xi32, #tpu.memory_space<vmem>> -> memref<128xi32, #tpu.memory_space<vmem>>
        %dma_start3A_29 = arith.constant 0 : i32
        %dma_start3A_30 = arith.constant 0 : i32
        %dma_start3A_31 = tpu.memref_slice %arg10[%dma_start3A_29, %dma_start3A_30] : memref<10240x128xf32, #tpu.memory_space<vmem_shared>> -> memref<10240x128xf32, #tpu.memory_space<vmem_shared>>
        tpu.enqueue_indirect_dma source(%arg9 : memref<128x128xf32, #tpu.memory_space<vmem>>) target(%dma_start3A_31 : memref<10240x128xf32, #tpu.memory_space<vmem_shared>>) offsets(%dma_start3A_28 : memref<128xi32, #tpu.memory_space<vmem>>) semaphore(%run_scoped3A : memref<!tpu.dma_semaphore, #tpu.memory_space<semaphore_mem>>) {add = true}
        %dma_wait3A_32 = arith.constant 0 : i32
        %dma_wait3A_33 = tpu.memref_slice %arg7[%scan3A_15, %dma_wait3A_32] : memref<80x128xi32, #tpu.memory_space<vmem>> -> memref<1x128xi32, #tpu.memory_space<vmem>>
        %dma_wait3A_34 = tpu.memref_squeeze %dma_wait3A_33 : memref<1x128xi32, #tpu.memory_space<vmem>> -> memref<128xi32, #tpu.memory_space<vmem>>
        %dma_wait3A_35 = arith.constant 0 : i32
        %dma_wait3A_36 = arith.constant 0 : i32
        %dma_wait3A_37 = tpu.memref_slice %arg10[%dma_wait3A_35, %dma_wait3A_36] : memref<10240x128xf32, #tpu.memory_space<vmem_shared>> -> memref<10240x128xf32, #tpu.memory_space<vmem_shared>>
        tpu.wait_indirect_dma semaphore(%run_scoped3A : memref<!tpu.dma_semaphore, #tpu.memory_space<semaphore_mem>>) src(%arg9 : memref<128x128xf32, #tpu.memory_space<vmem>>) dst(%dma_wait3A_37 : memref<10240x128xf32, #tpu.memory_space<vmem_shared>>)
        tpu.yield
      }) : () -> ()
    }
    %scan3A_9 = arith.constant 80 : i32
    %barrier3A_10 = arith.constant 0 : index
    tpu.barrier barrier_id(%barrier3A_10)
    %mul3A_11 = arith.constant 640 : i32
    %mul3A_12 = arith.muli %arg1, %mul3A_11 : i32
    %mul3A_13 = arith.constant 640 : i32
    %mul3A_14 = arith.muli %arg1, %mul3A_13 : i32
    "tpu.region"() ({
      %run_scoped3A = tpu.sem_alloc : memref<!tpu.dma_semaphore, #tpu.memory_space<semaphore_mem>>
      %dma_start3A = arith.constant 0 : i32
      %dma_start3A_15 = tpu.memref_slice %arg6[%arg0, %mul3A_14, %dma_start3A] : memref<2x10240x128xf32, #tpu.memory_space<hbm>> -> memref<1x640x128xf32, #tpu.memory_space<hbm>>
      %dma_start3A_16 = tpu.memref_squeeze %dma_start3A_15 : memref<1x640x128xf32, #tpu.memory_space<hbm>> -> memref<640x128xf32, #tpu.memory_space<hbm>>
      %dma_start3A_17 = arith.constant 0 : i32
      %dma_start3A_18 = tpu.memref_slice %arg10[%mul3A_12, %dma_start3A_17] : memref<10240x128xf32, #tpu.memory_space<vmem_shared>> -> memref<640x128xf32, #tpu.memory_space<vmem_shared>>
      tpu.enqueue_dma source(%dma_start3A_18 : memref<640x128xf32, #tpu.memory_space<vmem_shared>>) target(%dma_start3A_16 : memref<640x128xf32, #tpu.memory_space<hbm>>) target_semaphore(%run_scoped3A : memref<!tpu.dma_semaphore, #tpu.memory_space<semaphore_mem>>)
      %dma_wait3A = arith.constant 0 : i32
      %dma_wait3A_19 = tpu.memref_slice %arg6[%arg0, %mul3A_14, %dma_wait3A] : memref<2x10240x128xf32, #tpu.memory_space<hbm>> -> memref<1x640x128xf32, #tpu.memory_space<hbm>>
      %dma_wait3A_20 = tpu.memref_squeeze %dma_wait3A_19 : memref<1x640x128xf32, #tpu.memory_space<hbm>> -> memref<640x128xf32, #tpu.memory_space<hbm>>
      %dma_wait3A_21 = arith.constant 0 : i32
      %dma_wait3A_22 = tpu.memref_slice %arg10[%mul3A_12, %dma_wait3A_21] : memref<10240x128xf32, #tpu.memory_space<vmem_shared>> -> memref<640x128xf32, #tpu.memory_space<vmem_shared>>
      tpu.wait_dma2 semaphore(%run_scoped3A : memref<!tpu.dma_semaphore, #tpu.memory_space<semaphore_mem>>) src(%dma_wait3A_22 : memref<640x128xf32, #tpu.memory_space<vmem_shared>>) dst(%dma_wait3A_20 : memref<640x128xf32, #tpu.memory_space<hbm>>)
      tpu.yield
    }) : () -> ()
    return
  }
}

module attributes {stable_mosaic.version = 14 : i64} {
  func.func @_embed_tc(%arg0: i32, %arg1: memref<2000x1xi32, #tpu.memory_space<vmem>>, %arg2: memref<2000x1xi32, #tpu.memory_space<vmem>>, %arg3: memref<2000x1xi32, #tpu.memory_space<vmem>>, %arg4: memref<128x64xf32, #tpu.memory_space<vmem>>, %arg5: memref<2000x64xf32, #tpu.memory_space<vmem>>, %arg6: memref<128x128xf32, #tpu.memory_space<vmem>>, %arg7: memref<1x128xf32, #tpu.memory_space<vmem>>, %arg8: memref<2000x128xf32, #tpu.memory_space<vmem>>, %arg9: memref<2000x128xf32, #tpu.memory_space<vmem>>) attributes {dimension_semantics = [#tpu.dimension_semantics<arbitrary>], iteration_bounds = array<i64: 5>, scalar_prefetch = 0 : i64, scratch_operands = 0 : i64, tpu.core_type = #tpu.core_type<tc>, window_params = [{transform_indices = @transform_0, window_bounds = array<i64: 2000, 1>}, {transform_indices = @transform_1, window_bounds = array<i64: 2000, 1>}, {transform_indices = @transform_2, window_bounds = array<i64: 2000, 1>}, {pipeline_mode = #tpu.pipeline_mode<synchronous>, transform_indices = @transform_3, window_bounds = array<i64: 128, 64>}, {transform_indices = @transform_4, window_bounds = array<i64: 2000, 64>}, {pipeline_mode = #tpu.pipeline_mode<synchronous>, transform_indices = @transform_5, window_bounds = array<i64: 128, 128>}, {pipeline_mode = #tpu.pipeline_mode<synchronous>, transform_indices = @transform_6, window_bounds = array<i64: 1, 128>}, {transform_indices = @transform_7, window_bounds = array<i64: 2000, 128>}, {transform_indices = @transform_8, window_bounds = array<i64: 2000, 128>}]} {
    %iota3A = tpu.iota {dimensions = array<i32: 1>} : vector<2000x128xi32>
    %get3A = arith.constant 0 : index
    %get3A_0 = arith.constant 0 : index
    %get3A_1 = vector.load %arg1[%get3A, %get3A_0] : memref<2000x1xi32, #tpu.memory_space<vmem>>, vector<2000x1xi32>
    %eq3A = vector.broadcast %get3A_1 : vector<2000x1xi32> to vector<2000x128xi32>
    %eq3A_2 = arith.cmpi eq, %iota3A, %eq3A : vector<2000x128xi32>
    %get3A_3 = arith.constant 0 : index
    %get3A_4 = arith.constant 0 : index
    %get3A_5 = vector.load %arg2[%get3A_3, %get3A_4] : memref<2000x1xi32, #tpu.memory_space<vmem>>, vector<2000x1xi32>
    %add3A = arith.constant 8 : i32
    %add3A_6 = vector.broadcast %add3A : i32 to vector<2000x1xi32>
    %add3A_7 = arith.addi %get3A_5, %add3A_6 : vector<2000x1xi32>
    %eq3A_8 = vector.broadcast %add3A_7 : vector<2000x1xi32> to vector<2000x128xi32>
    %eq3A_9 = arith.cmpi eq, %iota3A, %eq3A_8 : vector<2000x128xi32>
    %or3A = arith.ori %eq3A_2, %eq3A_9 : vector<2000x128xi1>
    %get3A_10 = arith.constant 0 : index
    %get3A_11 = arith.constant 0 : index
    %get3A_12 = vector.load %arg3[%get3A_10, %get3A_11] : memref<2000x1xi32, #tpu.memory_space<vmem>>, vector<2000x1xi32>
    %add3A_13 = arith.constant 28 : i32
    %add3A_14 = vector.broadcast %add3A_13 : i32 to vector<2000x1xi32>
    %add3A_15 = arith.addi %get3A_12, %add3A_14 : vector<2000x1xi32>
    %eq3A_16 = vector.broadcast %add3A_15 : vector<2000x1xi32> to vector<2000x128xi32>
    %eq3A_17 = arith.cmpi eq, %iota3A, %eq3A_16 : vector<2000x128xi32>
    %or3A_18 = arith.ori %or3A, %eq3A_17 : vector<2000x128xi1>
    %convert_element_type3A = arith.extui %or3A_18 : vector<2000x128xi1> to vector<2000x128xi32>
    %convert_element_type3A_19 = arith.sitofp %convert_element_type3A : vector<2000x128xi32> to vector<2000x128xf32>
    %get3A_20 = arith.constant 0 : index
    %get3A_21 = arith.constant 0 : index
    %get3A_22 = vector.load %arg4[%get3A_20, %get3A_21] : memref<128x64xf32, #tpu.memory_space<vmem>>, vector<128x64xf32>
    %dot_general3A = arith.constant dense<0.000000e+00> : vector<2000x64xf32>
    %dot_general3A_23 = tpu.matmul %convert_element_type3A_19, %get3A_22, %dot_general3A {dimension_numbers = #tpu.dot_dimension_numbers<[1], [0], [0], [1], [0, 0, 1, 1], [], []>, transpose_lhs_hint = false} : vector<2000x128xf32>, vector<128x64xf32>, vector<2000x64xf32> -> vector<2000x64xf32>
    %get3A_24 = arith.constant 0 : index
    %get3A_25 = arith.constant 0 : index
    %get3A_26 = vector.load %arg5[%get3A_24, %get3A_25] : memref<2000x64xf32, #tpu.memory_space<vmem>>, vector<2000x64xf32>
    %concatenate3A = tpu.concatenate %dot_general3A_23, %get3A_26 in 1 : vector<2000x64xf32>, vector<2000x64xf32> -> vector<2000x128xf32>
    %swap3A = arith.constant 0 : index
    %swap3A_27 = arith.constant 0 : index
    %swap3A_28 = vector.load %arg8[%swap3A, %swap3A_27] : memref<2000x128xf32, #tpu.memory_space<vmem>>, vector<2000x128xf32>
    tpu.vector_store %arg8[%swap3A, %swap3A_27], %concatenate3A {strides = array<i32>} : memref<2000x128xf32, #tpu.memory_space<vmem>>, vector<2000x128xf32>,
    %get3A_29 = arith.constant 0 : index
    %get3A_30 = arith.constant 0 : index
    %get3A_31 = vector.load %arg6[%get3A_29, %get3A_30] : memref<128x128xf32, #tpu.memory_space<vmem>>, vector<128x128xf32>
    %dot_general3A_32 = arith.constant dense<0.000000e+00> : vector<2000x128xf32>
    %dot_general3A_33 = tpu.matmul %concatenate3A, %get3A_31, %dot_general3A_32 {dimension_numbers = #tpu.dot_dimension_numbers<[1], [0], [0], [1], [0, 0, 1, 1], [], []>, transpose_lhs_hint = false} : vector<2000x128xf32>, vector<128x128xf32>, vector<2000x128xf32> -> vector<2000x128xf32>
    %get3A_34 = arith.constant 0 : index
    %get3A_35 = arith.constant 0 : index
    %get3A_36 = vector.load %arg7[%get3A_34, %get3A_35] : memref<1x128xf32, #tpu.memory_space<vmem>>, vector<1x128xf32>
    %add3A_37 = vector.broadcast %get3A_36 : vector<1x128xf32> to vector<2000x128xf32>
    %add3A_38 = arith.addf %dot_general3A_33, %add3A_37 : vector<2000x128xf32>
    %swap3A_39 = arith.constant 0 : index
    %swap3A_40 = arith.constant 0 : index
    %swap3A_41 = vector.load %arg9[%swap3A_39, %swap3A_40] : memref<2000x128xf32, #tpu.memory_space<vmem>>, vector<2000x128xf32>
    tpu.vector_store %arg9[%swap3A_39, %swap3A_40], %add3A_38 {strides = array<i32>} : memref<2000x128xf32, #tpu.memory_space<vmem>>, vector<2000x128xf32>,
    return
  }
  func.func @transform_0(%arg0: i32) -> (i32, i32) {
    %c0_i32 = arith.constant 0 : i32
    %c0_i32_0 = arith.constant 0 : i32
    return %arg0, %c0_i32 : i32, i32
  }
  func.func @transform_1(%arg0: i32) -> (i32, i32) {
    %c0_i32 = arith.constant 0 : i32
    %c0_i32_0 = arith.constant 0 : i32
    return %arg0, %c0_i32 : i32, i32
  }
  func.func @transform_2(%arg0: i32) -> (i32, i32) {
    %c0_i32 = arith.constant 0 : i32
    %c0_i32_0 = arith.constant 0 : i32
    return %arg0, %c0_i32 : i32, i32
  }
  func.func @transform_3(%arg0: i32) -> (i32, i32) {
    %c0_i32 = arith.constant 0 : i32
    %c0_i32_0 = arith.constant 0 : i32
    %c0_i32_1 = arith.constant 0 : i32
    return %c0_i32, %c0_i32_0 : i32, i32
  }
  func.func @transform_4(%arg0: i32) -> (i32, i32) {
    %c0_i32 = arith.constant 0 : i32
    %c0_i32_0 = arith.constant 0 : i32
    return %arg0, %c0_i32 : i32, i32
  }
  func.func @transform_5(%arg0: i32) -> (i32, i32) {
    %c0_i32 = arith.constant 0 : i32
    %c0_i32_0 = arith.constant 0 : i32
    %c0_i32_1 = arith.constant 0 : i32
    return %c0_i32, %c0_i32_0 : i32, i32
  }
  func.func @transform_6(%arg0: i32) -> (i32, i32) {
    %c0_i32 = arith.constant 0 : i32
    %c0_i32_0 = arith.constant 0 : i32
    %c0_i32_1 = arith.constant 0 : i32
    return %c0_i32, %c0_i32_0 : i32, i32
  }
  func.func @transform_7(%arg0: i32) -> (i32, i32) {
    %c0_i32 = arith.constant 0 : i32
    %c0_i32_0 = arith.constant 0 : i32
    return %arg0, %c0_i32 : i32, i32
  }
  func.func @transform_8(%arg0: i32) -> (i32, i32) {
    %c0_i32 = arith.constant 0 : i32
    %c0_i32_0 = arith.constant 0 : i32
    return %arg0, %c0_i32 : i32, i32
  }
}

module attributes {stable_mosaic.version = 14 : i64} {
  func.func @_matmul_tc(%arg0: i32, %arg1: memref<2000x128xf32, #tpu.memory_space<vmem>>, %arg2: memref<2000x128xf32, #tpu.memory_space<vmem>>, %arg3: memref<128x128xf32, #tpu.memory_space<vmem>>, %arg4: memref<1x128xf32, #tpu.memory_space<vmem>>, %arg5: memref<2000x128xf32, #tpu.memory_space<vmem>>) attributes {dimension_semantics = [#tpu.dimension_semantics<arbitrary>], iteration_bounds = array<i64: 5>, scalar_prefetch = 0 : i64, scratch_operands = 0 : i64, tpu.core_type = #tpu.core_type<tc>, window_params = [{transform_indices = @transform_0, window_bounds = array<i64: 2000, 128>}, {transform_indices = @transform_1, window_bounds = array<i64: 2000, 128>}, {pipeline_mode = #tpu.pipeline_mode<synchronous>, transform_indices = @transform_2, window_bounds = array<i64: 128, 128>}, {pipeline_mode = #tpu.pipeline_mode<synchronous>, transform_indices = @transform_3, window_bounds = array<i64: 1, 128>}, {transform_indices = @transform_4, window_bounds = array<i64: 2000, 128>}]} {
    %get3A = arith.constant 0 : index
    %get3A_0 = arith.constant 0 : index
    %get3A_1 = vector.load %arg1[%get3A, %get3A_0] : memref<2000x128xf32, #tpu.memory_space<vmem>>, vector<2000x128xf32>
    %get3A_2 = arith.constant 0 : index
    %get3A_3 = arith.constant 0 : index
    %get3A_4 = vector.load %arg2[%get3A_2, %get3A_3] : memref<2000x128xf32, #tpu.memory_space<vmem>>, vector<2000x128xf32>
    %add3A = arith.addf %get3A_1, %get3A_4 : vector<2000x128xf32>
    %get3A_5 = arith.constant 0 : index
    %get3A_6 = arith.constant 0 : index
    %get3A_7 = vector.load %arg3[%get3A_5, %get3A_6] : memref<128x128xf32, #tpu.memory_space<vmem>>, vector<128x128xf32>
    %dot_general3A = arith.constant dense<0.000000e+00> : vector<2000x128xf32>
    %dot_general3A_8 = tpu.matmul %add3A, %get3A_7, %dot_general3A {dimension_numbers = #tpu.dot_dimension_numbers<[1], [0], [0], [1], [0, 0, 1, 1], [], []>, transpose_lhs_hint = false} : vector<2000x128xf32>, vector<128x128xf32>, vector<2000x128xf32> -> vector<2000x128xf32>
    %get3A_9 = arith.constant 0 : index
    %get3A_10 = arith.constant 0 : index
    %get3A_11 = vector.load %arg4[%get3A_9, %get3A_10] : memref<1x128xf32, #tpu.memory_space<vmem>>, vector<1x128xf32>
    %add3A_12 = vector.broadcast %get3A_11 : vector<1x128xf32> to vector<2000x128xf32>
    %add3A_13 = arith.addf %dot_general3A_8, %add3A_12 : vector<2000x128xf32>
    %swap3A = arith.constant 0 : index
    %swap3A_14 = arith.constant 0 : index
    %swap3A_15 = vector.load %arg5[%swap3A, %swap3A_14] : memref<2000x128xf32, #tpu.memory_space<vmem>>, vector<2000x128xf32>
    tpu.vector_store %arg5[%swap3A, %swap3A_14], %add3A_13 {strides = array<i32>} : memref<2000x128xf32, #tpu.memory_space<vmem>>, vector<2000x128xf32>,
    return
  }
  func.func @transform_0(%arg0: i32) -> (i32, i32) {
    %c0_i32 = arith.constant 0 : i32
    %c0_i32_0 = arith.constant 0 : i32
    return %arg0, %c0_i32 : i32, i32
  }
  func.func @transform_1(%arg0: i32) -> (i32, i32) {
    %c0_i32 = arith.constant 0 : i32
    %c0_i32_0 = arith.constant 0 : i32
    return %arg0, %c0_i32 : i32, i32
  }
  func.func @transform_2(%arg0: i32) -> (i32, i32) {
    %c0_i32 = arith.constant 0 : i32
    %c0_i32_0 = arith.constant 0 : i32
    %c0_i32_1 = arith.constant 0 : i32
    return %c0_i32, %c0_i32_0 : i32, i32
  }
  func.func @transform_3(%arg0: i32) -> (i32, i32) {
    %c0_i32 = arith.constant 0 : i32
    %c0_i32_0 = arith.constant 0 : i32
    %c0_i32_1 = arith.constant 0 : i32
    return %c0_i32, %c0_i32_0 : i32, i32
  }
  func.func @transform_4(%arg0: i32) -> (i32, i32) {
    %c0_i32 = arith.constant 0 : i32
    %c0_i32_0 = arith.constant 0 : i32
    return %arg0, %c0_i32 : i32, i32
  }
}

module attributes {stable_mosaic.version = 14 : i64} {
  func.func @_final_tc(%arg0: i32, %arg1: memref<1024x128xf32, #tpu.memory_space<vmem>>, %arg2: memref<1024x128xf32, #tpu.memory_space<vmem>>, %arg3: memref<1024x128xf32, #tpu.memory_space<vmem>>, %arg4: memref<128x100xf32, #tpu.memory_space<vmem>>, %arg5: memref<128x100xf32, #tpu.memory_space<vmem>>, %arg6: memref<1x100xf32, #tpu.memory_space<vmem>>, %arg7: memref<1024x100xf32, #tpu.memory_space<vmem>>) attributes {dimension_semantics = [#tpu.dimension_semantics<arbitrary>], iteration_bounds = array<i64: 4>, scalar_prefetch = 0 : i64, scratch_operands = 0 : i64, tpu.core_type = #tpu.core_type<tc>, window_params = [{transform_indices = @transform_0, window_bounds = array<i64: 1024, 128>}, {transform_indices = @transform_1, window_bounds = array<i64: 1024, 128>}, {transform_indices = @transform_2, window_bounds = array<i64: 1024, 128>}, {pipeline_mode = #tpu.pipeline_mode<synchronous>, transform_indices = @transform_3, window_bounds = array<i64: 128, 100>}, {pipeline_mode = #tpu.pipeline_mode<synchronous>, transform_indices = @transform_4, window_bounds = array<i64: 128, 100>}, {pipeline_mode = #tpu.pipeline_mode<synchronous>, transform_indices = @transform_5, window_bounds = array<i64: 1, 100>}, {transform_indices = @transform_6, window_bounds = array<i64: 1024, 100>}]} {
    %get3A = arith.constant 0 : index
    %get3A_0 = arith.constant 0 : index
    %get3A_1 = vector.load %arg1[%get3A, %get3A_0] : memref<1024x128xf32, #tpu.memory_space<vmem>>, vector<1024x128xf32>
    %get3A_2 = arith.constant 0 : index
    %get3A_3 = arith.constant 0 : index
    %get3A_4 = vector.load %arg2[%get3A_2, %get3A_3] : memref<1024x128xf32, #tpu.memory_space<vmem>>, vector<1024x128xf32>
    %add3A = arith.addf %get3A_1, %get3A_4 : vector<1024x128xf32>
    %get3A_5 = arith.constant 0 : index
    %get3A_6 = arith.constant 0 : index
    %get3A_7 = vector.load %arg4[%get3A_5, %get3A_6] : memref<128x100xf32, #tpu.memory_space<vmem>>, vector<128x100xf32>
    %dot_general3A = arith.constant dense<0.000000e+00> : vector<1024x100xf32>
    %dot_general3A_8 = tpu.matmul %add3A, %get3A_7, %dot_general3A {dimension_numbers = #tpu.dot_dimension_numbers<[1], [0], [0], [1], [0, 0, 1, 1], [], []>, transpose_lhs_hint = false} : vector<1024x128xf32>, vector<128x100xf32>, vector<1024x100xf32> -> vector<1024x100xf32>
    %get3A_9 = arith.constant 0 : index
    %get3A_10 = arith.constant 0 : index
    %get3A_11 = vector.load %arg3[%get3A_9, %get3A_10] : memref<1024x128xf32, #tpu.memory_space<vmem>>, vector<1024x128xf32>
    %get3A_12 = arith.constant 0 : index
    %get3A_13 = arith.constant 0 : index
    %get3A_14 = vector.load %arg5[%get3A_12, %get3A_13] : memref<128x100xf32, #tpu.memory_space<vmem>>, vector<128x100xf32>
    %dot_general3A_15 = arith.constant dense<0.000000e+00> : vector<1024x100xf32>
    %dot_general3A_16 = tpu.matmul %get3A_11, %get3A_14, %dot_general3A_15 {dimension_numbers = #tpu.dot_dimension_numbers<[1], [0], [0], [1], [0, 0, 1, 1], [], []>, transpose_lhs_hint = false} : vector<1024x128xf32>, vector<128x100xf32>, vector<1024x100xf32> -> vector<1024x100xf32>
    %add3A_17 = arith.addf %dot_general3A_8, %dot_general3A_16 : vector<1024x100xf32>
    %get3A_18 = arith.constant 0 : index
    %get3A_19 = arith.constant 0 : index
    %get3A_20 = vector.load %arg6[%get3A_18, %get3A_19] : memref<1x100xf32, #tpu.memory_space<vmem>>, vector<1x100xf32>
    %add3A_21 = vector.broadcast %get3A_20 : vector<1x100xf32> to vector<1024x100xf32>
    %add3A_22 = arith.addf %add3A_17, %add3A_21 : vector<1024x100xf32>
    %swap3A = arith.constant 0 : index
    %swap3A_23 = arith.constant 0 : index
    %swap3A_24 = vector.load %arg7[%swap3A, %swap3A_23] : memref<1024x100xf32, #tpu.memory_space<vmem>>, vector<1024x100xf32>
    tpu.vector_store %arg7[%swap3A, %swap3A_23], %add3A_22 {strides = array<i32>} : memref<1024x100xf32, #tpu.memory_space<vmem>>, vector<1024x100xf32>,
    return
  }
  func.func @transform_0(%arg0: i32) -> (i32, i32) {
    %c0_i32 = arith.constant 0 : i32
    %c0_i32_0 = arith.constant 0 : i32
    return %arg0, %c0_i32 : i32, i32
  }
  func.func @transform_1(%arg0: i32) -> (i32, i32) {
    %c0_i32 = arith.constant 0 : i32
    %c0_i32_0 = arith.constant 0 : i32
    return %arg0, %c0_i32 : i32, i32
  }
  func.func @transform_2(%arg0: i32) -> (i32, i32) {
    %c0_i32 = arith.constant 0 : i32
    %c0_i32_0 = arith.constant 0 : i32
    return %arg0, %c0_i32 : i32, i32
  }
  func.func @transform_3(%arg0: i32) -> (i32, i32) {
    %c0_i32 = arith.constant 0 : i32
    %c0_i32_0 = arith.constant 0 : i32
    %c0_i32_1 = arith.constant 0 : i32
    return %c0_i32, %c0_i32_0 : i32, i32
  }
  func.func @transform_4(%arg0: i32) -> (i32, i32) {
    %c0_i32 = arith.constant 0 : i32
    %c0_i32_0 = arith.constant 0 : i32
    %c0_i32_1 = arith.constant 0 : i32
    return %c0_i32, %c0_i32_0 : i32, i32
  }
  func.func @transform_5(%arg0: i32) -> (i32, i32) {
    %c0_i32 = arith.constant 0 : i32
    %c0_i32_0 = arith.constant 0 : i32
    %c0_i32_1 = arith.constant 0 : i32
    return %c0_i32, %c0_i32_0 : i32, i32
  }
  func.func @transform_6(%arg0: i32) -> (i32, i32) {
    %c0_i32 = arith.constant 0 : i32
    %c0_i32_0 = arith.constant 0 : i32
    return %arg0, %c0_i32 : i32, i32
  }
}

</mosaic_0001>

<sc_bundles>
// kernel: kernel.11.cloned.1.call-start
scs
__scs_entry_jumppad:
0x0: {  	(pc) =	sbr.rel $0x88, $3  }
0x1: {  	(tag) =	ssettag $0x0;
	lr =	simm.s32 $0x1  }
0x2: {  	[smem:$0x3F94] =	sst lr;
	_ =	strace $0xD0000000  }
0x3: {  	_ = 	snop  }
0x4: {  	_ = 	snop  }
0x5: {  	_ = 	snop  }
0x6: {  	_ = 	snop  }
0x7: {  	_ = 	snop  }
__scs_overlays_trampoline_lowered:
0x8: {  	[smem:$0x3FA3] =	sst s0  }
0x9: {  	[smem:$0x3FA4] =	sst s1  }
0xa: {  	[smem:$0x3FA5] =	sst s2  }
0xb: {  	[smem:$0x3FA6] =	sst s3  }
0xc: {  	[smem:$0x3FA7] =	sst s4  }
0xd: {  	[smem:$0x3FA8] =	sst s5  }
0xe: {  	[smem:$0x3FA9] =	sst s6  }
0xf: {  	[smem:$0x3FAA] =	sst s7  }
0x10: {  	[smem:$0x3FAB] =	sst s8  }
0x11: {  	[smem:$0x3FAC] =	sst s9;
	s0 =	simm.s32 @!p0 $0x0  }
0x12: {  	s1 =	sld [smem:$0x3F92];
	s0 =	simm.s32 @p0 $0x1  }
0x13: {  	[smem:$0x3FAD] =	sst s0;
	s0 =	simm.s32 @!p1 $0x0  }
0x14: {  	s2 =	sld [smem:$0x3F91];
	s0 =	simm.s32 @p1 $0x1  }
0x15: {  	[smem:$0x3FAE] =	sst s0;
	s0 =	simm.s32 @!p2 $0x0  }
0x16: {  	s3 =	sld [smem:$0x3FDB];
	s0 =	simm.s32 @p2 $0x1  }
0x17: {  	s4 =	simm.s32 $0x1BF5;
	[smem:$0x3FB0] =	sst s0  }
0x18: {  	s0 =	sld [smem:$0x3F93];
	_ =	swait.ge [sflag:s4], $0x0  }
0x19: {  	s7 =	sld [smem:$0x3F94]  }
0x1a: {  	s8 =	sadd.s32 $0xFFFFE003, lr  }
0x1b: {  	s9 =	sadd.s32 $0xFFFFFEF7, lr;
	s5 =	simm.s32 $0xFFFFFFFF;
	p2 =	slt.u32 s8, $0xFFFFF086  }
0x1c: {  	p1 =	slt.u32 s9, $0xF7A;
	s5 =	simm.s32 @!p2 $0x0  }
0x1d: {  	s5 =	simm.s32 @p1 $0x1;
	p0 =	seq.s32 s7, s2  }
0x1e: {  	s7 =	smul.u32 @!p0 $0xF7A, s2;
	p2 =	seq.s32 @!p0 s5, $0x0  }
0x1f: {  	s9 =	smul.u32 $0xF7A, s1;
	s8 =	simm.s32 @!p0 $0x1BF5;
	p2 =	por !p2, p0  }
0x20: {  	[sflag:s8] =	ssyncset.s32 @!p0 $0xFFFFF086;
	s6 =	sadd.s32 @!p0 s3, s7;
	s7 =	simm.s32 @!p0 $0x108  }
0x21: {  	s3 =	sadd.s32 s3, s9;
	s6 =	sadd.s32 @!p0 $0x88, s6;
	s7 =	simm.s32 @p2 $0x1082  }
0x22: {  	[simem:s7], [sflag:s8] =	dma.local @!p0 [hbm:s6], $0xF7A  }
0x23: {  	s9 =	sor.u32 $0xD0000000, s2;
	s6 =	simm.s32 $0x108;
	_ =	swait.ge @!p0 [sflag:s8], $0x0  }
0x24: {  	s3 =	sadd.s32 $0x88, s3;
	s6 =	simm.s32 @!p1 $0x1082;
	[sflag:s4] =	ssyncset.s32 $0xFFFFF086  }
0x25: {  	[simem:s6], [sflag:s4] =	dma.local [hbm:s3], $0xF7A  }
0x26: {  	[smem:$0x3F94] =	sst s1;
	(tag) =	ssettag s2;
	_ =	strace s9  }
0x27: {  	s1 =	sld [smem:$0x3FA4]  }
0x28: {  	s2 =	sld [smem:$0x3FA5]  }
0x29: {  	s4 =	sld [smem:$0x3FA7]  }
0x2a: {  	p0 =	seq.s32 s5, $0x0;
	s5 =	sld [smem:$0x3FA8]  }
0x2b: {  	s6 =	sld [smem:$0x3FA9]  }
0x2c: {  	s7 =	sld [smem:$0x3FAA]  }
0x2d: {  	s3 =	simm.s32 $0x108;
	s8 =	sld [smem:$0x3FAB]  }
0x2e: {  	s3 =	simm.s32 @!p0 $0x1082;
	s9 =	sld [smem:$0x3FAC]  }
0x2f: {  	lr =	sadd.s32 s0, s3;
	s0 =	sld [smem:$0x3FA3]  }
0x30: {  	s3 =	sld [smem:$0x3FA6]  }
0x31: {  	[smem:$0x3FAF] =	sst s10  }
0x32: {  	s10 =	sld [smem:$0x3FAD];
	_ =	sdelay $0x3  }
0x33: {  	p0 =	seq.s32 s10, $0x1;
	s10 =	sld [smem:$0x3FAF];
	_ =	sdelay $0x3  }
0x34: {  	[smem:$0x3FAF] =	sst s10  }
0x35: {  	s10 =	sld [smem:$0x3FAE];
	_ =	sdelay $0x3  }
0x36: {  	p1 =	seq.s32 s10, $0x1;
	s10 =	sld [smem:$0x3FAF];
	_ =	sdelay $0x3  }
0x37: {  	[smem:$0x3FAF] =	sst s10  }
0x38: {  	s10 =	sld [smem:$0x3FB0]  }
0x39: {  	_ = 	snop;
	(pc) =	sbr.ind lr, $3  }
0x3a: {  	_ = 	snop  }
0x3b: {  	_ = 	snop  }
0x3c: {  	p2 =	seq.s32 s10, $0x1;
	s10 =	sld [smem:$0x3FAF]  }
0x3d: {  	_ =	shalt  }
0x3e: {  	_ =	shalt  }
0x3f: {  	_ =	shalt  }
0x40: {  	_ =	shalt  }
0x41: {  	_ =	shalt  }
0x42: {  	_ =	shalt  }
0x43: {  	_ =	shalt  }
0x44: {  	_ =	shalt  }
0x45: {  	_ =	shalt  }
0x46: {  	_ =	shalt  }
0x47: {  	_ =	shalt  }
0x48: {  	_ =	shalt  }
0x49: {  	_ =	shalt  }
0x4a: {  	_ =	shalt  }
0x4b: {  	_ =	shalt  }
0x4c: {  	_ =	shalt  }
0x4d: {  	_ =	shalt  }
0x4e: {  	_ =	shalt  }
0x4f: {  	_ =	shalt  }
0x50: {  	_ =	shalt  }
0x51: {  	_ =	shalt  }
0x52: {  	_ =	shalt  }
0x53: {  	_ =	shalt  }
0x54: {  	_ =	shalt  }
0x55: {  	_ =	shalt  }
0x56: {  	_ =	shalt  }
0x57: {  	_ =	shalt  }
0x58: {  	_ =	shalt  }
0x59: {  	_ =	shalt  }
0x5a: {  	_ =	shalt  }
0x5b: {  	_ =	shalt  }
0x5c: {  	_ =	shalt  }
0x5d: {  	_ =	shalt  }
0x5e: {  	_ =	shalt  }
0x5f: {  	_ =	shalt  }
0x60: {  	_ =	shalt  }
0x61: {  	_ =	shalt  }
0x62: {  	_ =	shalt  }
0x63: {  	_ =	shalt  }
0x64: {  	_ =	shalt  }
0x65: {  	_ =	shalt  }
0x66: {  	_ =	shalt  }
0x67: {  	_ =	shalt  }
0x68: {  	_ =	shalt  }
0x69: {  	_ =	shalt  }
0x6a: {  	_ =	shalt  }
0x6b: {  	_ =	shalt  }
0x6c: {  	_ =	shalt  }
0x6d: {  	_ =	shalt  }
0x6e: {  	_ =	shalt  }
0x6f: {  	_ =	shalt  }
0x70: {  	_ =	shalt  }
0x71: {  	_ =	shalt  }
0x72: {  	_ =	shalt  }
0x73: {  	_ =	shalt  }
0x74: {  	_ =	shalt  }
0x75: {  	_ =	shalt  }
0x76: {  	_ =	shalt  }
0x77: {  	_ =	shalt  }
0x78: {  	_ =	shalt  }
0x79: {  	_ =	shalt  }
0x7a: {  	_ =	shalt  }
0x7b: {  	_ =	shalt  }
0x7c: {  	_ =	shalt  }
0x7d: {  	_ =	shalt  }
0x7e: {  	_ =	shalt  }
0x7f: {  	_ =	shalt  }
0x80: {  	_ =	shalt  }
0x81: {  	_ =	shalt  }
0x82: {  	_ =	shalt  }
0x83: {  	_ =	shalt  }
0x84: {  	_ =	shalt  }
0x85: {  	_ =	shalt  }
0x86: {  	_ =	shalt  }
0x87: {  	_ =	shalt  }
.Lfunc_end0:
.L_simem_size_0:
called_computation.1_lowered:
.L_overlay_start_0:
0x88: {  	s2 =	sld [smem:$0x3FD9]  }
0x89: {  	s3 =	sld [smem:$0x3FFE];
	_ =	sdelay $0x1  }
0x8a: {  	s1 =	srdreg.scid  }
0x8b: {  	s0 =	sand.u32 $0x1, s1  }
0x8c: {  	s17 =	sshll.u32 s0, $0xA;
	s2 =	sadd.s32 s3, s2  }
0x8d: {  	s2 =	sadd.s32 s2, s17  }
0x8e: {  	[smem:$0x3FBB] =	sst s2  }
0x8f: {  	_ = 	snop  }
0x90: {  	s2 =	sld [smem:$0x3FD0];
	(tm) =	ssettm $0x1  }
0x91: {  	s18 =	sld [smem:$0x3FFB];
	_ =	sdelay $0x3  }
0x92: {  	_ =	strace s18  }
0x93: {  	s3 =	sld [smem:$0x3FFC];
	_ =	sdelay $0x3  }
0x94: {  	_ =	strace s3  }
0x95: {  	s3 =	sld [smem:$0x3FFD];
	_ =	sdelay $0x3  }
0x96: {  	_ =	strace s3  }
0x97: {  	_ =	strace $0x8FFFFFFF  }
0x98: {  	s19 =	sld [smem:$0x3FDB];
	_ =	sdelay $0x1  }
0x99: {  	s4 =	simm.s32 $_scs_section_size  }
0x9a: {  	s5 =	simm.s32 $_size__tile_overlayer_lowered;
	s6 =	simm.s32 $_tile_overlayer_lowered  }
0x9b: {  	s22 =	simm.s32 $0x1BFF;
	s21 =	sshll.u32 s6, $0x1;
	s3 =	sadd.s32 s4, s19  }
0x9c: {  	s7 =	simm.s32 $0x0;
	s20 =	sshll.u32 s5, $0x1;
	s5 =	sadd.s32 s21, s3  }
0x9d: {  	[timem:s7], [sflag:s22] =	dma.local [hbm:s5], s20  }
0x9e: {  	_ =	swait.ge [sflag:s22], s20  }
0x9f: {  	s4 =	ssub.s32 $0x0, s20;
	[sflag:s22] =	ssyncset.done $0x0  }
0xa0: {  	[sflag:s22] =	ssyncadd.s32 s4;
	_ =	sdelay $0x1  }
0xa1: {  	s23 =	simm.s32 $0x1B8B  }
0xa2: {  	_ =	swait.ge [sflag:s23], $0x1  }
0xa3: {  	[sflag:s23] =	ssyncset.done $0x0  }
0xa4: {  	s25 =	simm.s32 $0x1B8E;
	s24 =	sld [smem:$0x3FFE];
	[sflag:s23] =	ssyncadd.s32 $0xFFFFFFFF  }
0xa5: {  	s26 =	simm.s32 $execute0_lowered;
	[smem:$0x3FD2] =	sst s25  }
0xa6: {  	s5 =	sshll.u32 s26, $0x1;
	_ =	strace $0x80000049;
	[dreg:$0x1] =	wrdreg $0xFFFFFFFF  }
0xa7: {  	s28 =	simm.s32 $_size_execute0_lowered;
	s3 =	sadd.s32 s3, s5;
	[dreg:$0x0] =	wrdreg $0x0  }
0xa8: {  	s5 =	sshll.u32 s28, $0x1;
	[dreg:$0x2] =	wrdreg s3  }
0xa9: {  	[dreg:$0x3] =	wrdreg s5  }
0xaa: {  	[dreg:$0x4] =	wrdreg $0xC0  }
0xab: {  	_ =	task [dreg:s7], $0x5FFFF  }
0xac: {  	[dreg:$0x1] =	wrdreg $0xFFFFFFFF  }
0xad: {  	[dreg:$0x0] =	wrdreg $0x60  }
0xae: {  	[dreg:$0x2] =	wrdreg s24  }
0xaf: {  	[dreg:$0x3] =	wrdreg s2  }
0xb0: {  	[dreg:$0x4] =	wrdreg $0x90000  }
0xb1: {  	[dreg:$0x5] =	wrdreg $0x9  }
0xb2: {  	_ =	task.clear_ibuf [dreg:s7], $0x6FFFF;
	_ =	strace $0x90000049  }
0xb3: {  	s29 =	simm.s32 $0x9;
	_ =	strace $0x8000004B  }
0xb4: {  	_ =	swait.ge [sflag:s29], $0x1  }
0xb5: {  	[sflag:s29] =	ssyncadd.s32 $0xFFFFFFFF  }
0xb6: {  	_ =	strace $0x9000004B  }
0xb7: {  	_ =	sfence  }
0xb8: {  	s30 =	sld [smem:$0x0];
	_ =	sdelay $0x2  }
0xb9: {  	s31 =	sshll.u32 s1, $0xD;
	s1 =	sshrl.u32 s1, $0x2  }
0xba: {  	s3 =	sand.u32 $0x4000, s31;
	s1 =	sadd.s32 s1, s30  }
0xbb: {  	s0 =	sor.u32 s3, s0;
	s1 =	sshll.u32 s1, $0x11  }
0xbc: {  	s0 =	sor.u32 s1, s0  }
0xbd: {  	s0 =	sadd.s32 $0x8F2B, s0  }
0xbe: {  	[sflag:s0] =	ssyncadd.remote.s32 $0x1  }
0xbf: {  	_ =	sfence.sel $0xFFFF  }
0xc0: {  	[dreg:$0x0] =	wrdreg $0xFFFFFFFF;
	(pc) =	sbr.abs _section_cstart, $3  }
0xc1: {  	[dreg:$0x1] =	wrdreg $0xFFFFFFFF  }
0xc2: {  	_ =	task.clear_ibuf [dreg:s7], $0x2FFFF;
	_ =	strace $0x9FFFFFFF  }
0xc3: {  	(tm) =	ssettm $0x7FFFFFFF  }
tec
execute0_lowered:
.L_overlay_start_1:
0x0: {  	(tag) =	ssettag $0x1  }
0x1: {  	s5 =	rddreg [dreg:$0x0]  }
0x2: {  	s0 =	srdreg.scid;
	s7 =	rddreg [dreg:$0x1]  }
0x3: {  	s2 =	rddreg [dreg:$0x2];
	s3 =	simm.s32 $0x0;
	s15 =	simm.s32 $0x5000  }
0x4: {  	s16 =	simm.s32 $0x1;
	s6 =	sand.u32 $0x1, s0;
	s0 =	stileid.u32  }
0x5: {  	s17 =	simm.s32 $0x0;
	[smem:$0x7FF] =	sst s3;
	s9 =	smul.u32 $0x14000, s0  }
0x6: {  	s1 =	sshll.u32 s6, $0x4;
	s10 =	smul.u32 $0x140000, s6;
	s6 =	ssub.s32 $0x2, s6  }
0x7: {  	s30 =	smul.u32 $0x50000, s0;
	s31 =	sshll.u32 s0, $0x6;
	s4 =	sor.u32 s0, s1  }
0x8: {  	s1 =	rddreg [dreg:$0x3];
	_ =	strace $0x8000004A;
	s13 =	sshrl.u32 s6, $0x1  }
0x9: {  	s8 =	smul.u32 $0x500, s4;
	s4 =	sadd.s32 $0x29E00, s5;
	s12 =	sshrl.u32 s9, $0x3  }
0xa: {  	s9 =	sadd.s32 s9, s10;
	s13 =	ssub.s32 s6, s13;
	s10 =	sshrl.u32 s30, $0x2  }
0xb: {  	s12 =	sadd.s32 s12, s5;
	s9 =	sshrl.u32 s9, $0x3;
	s14 =	sadd.s32 s10, s2  }
0xc: {  	s10 =	simm.s32 $0x2;
	s11 =	sadd.s32 s8, s5;
	s9 =	sadd.s32 s9, s5  }
0xd: {  	s5 =	sadd.s32 s7, s8;
	s7 =	sadd.s32 $0x5B000, s12;
	s12 =	sor.u32 $0x1C02, s31  }
0xe: {  	s6 =	sadd.s32 $0x51000, s11;
	s8 =	sadd.s32 $0x83000, s9;
	s9 =	smax.u32 s13, $0x1  }
0xf: {  	s11 =	simm.s32 $0x2800;
	s13 =	sshrl.u32 s14, $0x3;
	s14 =	simm.s32 $0x80  }
.LBB2_1:
0x10: {  	[tilespmem:s3], [sflag:$0x2] =	stream.linear.gather [hbm4b:s5+s3], $0x2800, $0x38;
	[tilespmem:$0x1D000] =	vst v63  }
0x11: {  	_ =	swait.ge [sflag:s10], $0x2800  }
0x12: {  	[sflag:s10] =	ssyncset.done $0x0  }
0x13: {  	[sflag:s10] =	ssyncadd.s32 $0xFFFFD800  }
0x14: {  	[tilespmem:s11], [sflag:$0x2] =	stream.linear.gather [hbm4b:s6+s3], $0x2800, $0x38;
	[tilespmem:$0x1D000] =	vst v63  }
0x15: {  	_ =	swait.ge [sflag:s10], $0x2800  }
0x16: {  	[sflag:s10] =	ssyncset.done $0x0  }
0x17: {  	[sflag:s10] =	ssyncadd.s32 $0xFFFFD800  }
0x18: {  	[spmem:s13], [sflag:s12] =	dma.local [hbm:s7], $0x2800  }
0x19: {  	_ =	swait.ge [sflag:s10], $0x2800  }
0x1a: {  	[sflag:s10] =	ssyncset.done $0x0  }
0x1b: {  	[sflag:s10] =	ssyncadd.s32 $0xFFFFD800  }
0x1c: {  	s18 =	simm.s32 $0x2800;
	[bflag:$0x0] =	sbarrier.arrive $0xFFFF  }
0x1d: {  	[tilespmem:s15], [sflag:$0x1] =	stream.indirect.gather [hbm4b:s4+s14], $0x80, s18, s14, $0xb8;
	[tilespmem:$0x1D000] =	vst v63  }
0x1e: {  	_ =	swait.ge [sflag:s16], $0x4000  }
0x1f: {  	[sflag:s16] =	ssyncset.done $0x0  }
0x20: {  	s31 =	simm.s32 $0x0;
	[sflag:s16] =	ssyncadd.s32 $0xFFFFC000  }
0x21: {  	[spmem:s2] =	stream.indirect.scatter.add.f32 [tilespmem:s15], [sflag:$0x2], $0x80, s31, s14, $0xb8;
	[tilespmem:$0x1D000] =	vst v63  }
0x22: {  	_ =	swait.ge [sflag:s10], $0x4000  }
0x23: {  	s19 =	simm.s32 $0x400;
	s18 =	simm.s32 $0x80;
	[sflag:s10] =	ssyncset.done $0x0  }
.LBB2_2:
0x24: {  	s20 =	sadd.s32 $0x2800, s18  }
0x25: {  	[sflag:s10] =	ssyncadd.s32 $0xFFFFC000;
	s21 =	smov.u32 s19;
	s22 =	sadd.s32 $0x200, s19  }
0x26: {  	[tilespmem:s15], [sflag:$0x1] =	stream.indirect.gather [hbm4b:s4+s14], $0x80, s20, s14, $0xb8;
	[tilespmem:$0x1D000] =	vst v63  }
0x27: {  	p0 =	sne.s32 s19, $0x9E00;
	_ =	swait.ge [sflag:s16], $0x4000  }
.Ltmp0:
0x28: {  	[sflag:s16] =	ssyncset.done $0x0;
	(pc) =	sbr.rel @p0 .LBB2_2-.Ltmp0, $4  }
0x29: {  	[sflag:s16] =	ssyncadd.s32 $0xFFFFC000  }
0x2a: {  	[spmem:s2] =	stream.indirect.scatter.add.f32 [tilespmem:s15], [sflag:$0x2], $0x80, s18, s14, $0xb8;
	[tilespmem:$0x1D000] =	vst v63  }
0x2b: {  	_ =	swait.ge [sflag:s10], $0x4000  }
0x2c: {  	s19 =	smov.u32 s22;
	s18 =	sshra.s32 s21, $0x2;
	[sflag:s10] =	ssyncset.done $0x0  }
0x2d: {  	s19 =	sadd.s32 $0x2800, s18;
	[sflag:s10] =	ssyncadd.s32 $0xFFFFC000  }
0x2e: {  	[tilespmem:s15], [sflag:$0x1] =	stream.indirect.gather [hbm4b:s4+s14], $0x80, s19, s14, $0xb8;
	[tilespmem:$0x1D000] =	vst v63  }
0x2f: {  	_ =	swait.ge [sflag:s16], $0x4000  }
0x30: {  	[sflag:s16] =	ssyncset.done $0x0  }
0x31: {  	[sflag:s16] =	ssyncadd.s32 $0xFFFFC000  }
0x32: {  	[spmem:s2] =	stream.indirect.scatter.add.f32 [tilespmem:s15], [sflag:$0x2], $0x80, s18, s14, $0xb8;
	[tilespmem:$0x1D000] =	vst v63  }
0x33: {  	_ =	swait.ge [sflag:s10], $0x4000  }
0x34: {  	s17 =	sadd.s32 $0x1, s17;
	[sflag:s10] =	ssyncset.done $0x0  }
0x35: {  	p0 =	sne.s32 s17, s9;
	[sflag:s10] =	ssyncadd.s32 $0xFFFFC000  }
.Ltmp1:
0x36: {  	[bflag:$0x0] =	sbarrier.arrive $0xFFFF;
	(pc) =	sbr.rel @p0 .LBB2_1-.Ltmp1, $4  }
0x37: {  	[hbm:s8], [sflag:s12] =	dma.local [spmem:s13], $0x2800  }
0x38: {  	_ =	swait.ge [sflag:s10], $0x2800  }
0x39: {  	[sflag:s10] =	ssyncset.done $0x0  }
0x3a: {  	[sflag:s10] =	ssyncadd.s32 $0xFFFFD800  }
0x3b: {  	_ =	sfence.sel $0x180000  }
0x3c: {  	[bflag:$0x0] =	sbarrier.arrive $0xFFFF  }
0x3d: {  	p0 =	sne.s32 s0, $0x0;
	_ =	strace $0x9000004A  }
0x3e: {  	s0 =	sadd.s32 @!p0 $0x100000, s1;
	[bflag:$0x2] =	sbarrier.arrive $0xFFFF  }
0x3f: {  	[sflag:s0] =	ssyncadd.tile.s32 @!p0 $0x1;
	_ =	shalt  }
.Lfunc_end2:
_tile_overlayer_lowered:
.L_overlay_start_2:
0x40: {  	(tag) =	ssettag $0x2  }
0x41: {  	s0 =	rddreg [dreg:$0x0];
	s2 =	stileid.u32  }
0x42: {  	s1 =	rddreg [dreg:$0x1];
	p0 =	sne.s32 s2, $0x0  }
0x43: {  	s3 =	rddreg [dreg:$0x2];
	[bflag:$0x3] =	sbarrier.arrive $0xFFFF;
	s2 =	simm.s32 @!p0 $0x1C02  }
0x44: {  	[timem:s3], [sflag:s2] =	dma.local @!p0 [hbm:s0], s1  }
0x45: {  	s0 =	simm.s32 @!p0 $0x2  }
0x46: {  	_ =	swait.ge @!p0 [sflag:s0], s1  }
0x47: {  	s1 =	ssub.s32 @!p0 $0x0, s1;
	[sflag:s0] =	ssyncset.done @!p0 $0x0  }
0x48: {  	[sflag:s0] =	ssyncadd.s32 @!p0 s1  }
0x49: {  	[bflag:$0x3] =	sbarrier.arrive $0xFFFF  }
0x4a: {  	_ =	shalt  }

// kernel: kernel.14.cloned.1.call-start
scs
__scs_entry_jumppad:
0x0: {  	(pc) =	sbr.rel $0x88, $3  }
0x1: {  	(tag) =	ssettag $0x0;
	lr =	simm.s32 $0x1  }
0x2: {  	[smem:$0x3F94] =	sst lr;
	_ =	strace $0xD0000000  }
0x3: {  	_ = 	snop  }
0x4: {  	_ = 	snop  }
0x5: {  	_ = 	snop  }
0x6: {  	_ = 	snop  }
0x7: {  	_ = 	snop  }
__scs_overlays_trampoline_lowered:
0x8: {  	[smem:$0x3FA3] =	sst s0  }
0x9: {  	[smem:$0x3FA4] =	sst s1  }
0xa: {  	[smem:$0x3FA5] =	sst s2  }
0xb: {  	[smem:$0x3FA6] =	sst s3  }
0xc: {  	[smem:$0x3FA7] =	sst s4  }
0xd: {  	[smem:$0x3FA8] =	sst s5  }
0xe: {  	[smem:$0x3FA9] =	sst s6  }
0xf: {  	[smem:$0x3FAA] =	sst s7  }
0x10: {  	[smem:$0x3FAB] =	sst s8  }
0x11: {  	[smem:$0x3FAC] =	sst s9;
	s0 =	simm.s32 @!p0 $0x0  }
0x12: {  	s1 =	sld [smem:$0x3F92];
	s0 =	simm.s32 @p0 $0x1  }
0x13: {  	[smem:$0x3FAD] =	sst s0;
	s0 =	simm.s32 @!p1 $0x0  }
0x14: {  	s2 =	sld [smem:$0x3F91];
	s0 =	simm.s32 @p1 $0x1  }
0x15: {  	[smem:$0x3FAE] =	sst s0;
	s0 =	simm.s32 @!p2 $0x0  }
0x16: {  	s3 =	sld [smem:$0x3FDB];
	s0 =	simm.s32 @p2 $0x1  }
0x17: {  	s4 =	simm.s32 $0x1BF5;
	[smem:$0x3FB0] =	sst s0  }
0x18: {  	s0 =	sld [smem:$0x3F93];
	_ =	swait.ge [sflag:s4], $0x0  }
0x19: {  	s7 =	sld [smem:$0x3F94]  }
0x1a: {  	s8 =	sadd.s32 $0xFFFFE003, lr  }
0x1b: {  	s9 =	sadd.s32 $0xFFFFFEF7, lr;
	s5 =	simm.s32 $0xFFFFFFFF;
	p2 =	slt.u32 s8, $0xFFFFF086  }
0x1c: {  	p1 =	slt.u32 s9, $0xF7A;
	s5 =	simm.s32 @!p2 $0x0  }
0x1d: {  	s5 =	simm.s32 @p1 $0x1;
	p0 =	seq.s32 s7, s2  }
0x1e: {  	s7 =	smul.u32 @!p0 $0xF7A, s2;
	p2 =	seq.s32 @!p0 s5, $0x0  }
0x1f: {  	s9 =	smul.u32 $0xF7A, s1;
	s8 =	simm.s32 @!p0 $0x1BF5;
	p2 =	por !p2, p0  }
0x20: {  	[sflag:s8] =	ssyncset.s32 @!p0 $0xFFFFF086;
	s6 =	sadd.s32 @!p0 s3, s7;
	s7 =	simm.s32 @!p0 $0x108  }
0x21: {  	s3 =	sadd.s32 s3, s9;
	s6 =	sadd.s32 @!p0 $0x88, s6;
	s7 =	simm.s32 @p2 $0x1082  }
0x22: {  	[simem:s7], [sflag:s8] =	dma.local @!p0 [hbm:s6], $0xF7A  }
0x23: {  	s9 =	sor.u32 $0xD0000000, s2;
	s6 =	simm.s32 $0x108;
	_ =	swait.ge @!p0 [sflag:s8], $0x0  }
0x24: {  	s3 =	sadd.s32 $0x88, s3;
	s6 =	simm.s32 @!p1 $0x1082;
	[sflag:s4] =	ssyncset.s32 $0xFFFFF086  }
0x25: {  	[simem:s6], [sflag:s4] =	dma.local [hbm:s3], $0xF7A  }
0x26: {  	[smem:$0x3F94] =	sst s1;
	(tag) =	ssettag s2;
	_ =	strace s9  }
0x27: {  	s1 =	sld [smem:$0x3FA4]  }
0x28: {  	s2 =	sld [smem:$0x3FA5]  }
0x29: {  	s4 =	sld [smem:$0x3FA7]  }
0x2a: {  	p0 =	seq.s32 s5, $0x0;
	s5 =	sld [smem:$0x3FA8]  }
0x2b: {  	s6 =	sld [smem:$0x3FA9]  }
0x2c: {  	s7 =	sld [smem:$0x3FAA]  }
0x2d: {  	s3 =	simm.s32 $0x108;
	s8 =	sld [smem:$0x3FAB]  }
0x2e: {  	s3 =	simm.s32 @!p0 $0x1082;
	s9 =	sld [smem:$0x3FAC]  }
0x2f: {  	lr =	sadd.s32 s0, s3;
	s0 =	sld [smem:$0x3FA3]  }
0x30: {  	s3 =	sld [smem:$0x3FA6]  }
0x31: {  	[smem:$0x3FAF] =	sst s10  }
0x32: {  	s10 =	sld [smem:$0x3FAD];
	_ =	sdelay $0x3  }
0x33: {  	p0 =	seq.s32 s10, $0x1;
	s10 =	sld [smem:$0x3FAF];
	_ =	sdelay $0x3  }
0x34: {  	[smem:$0x3FAF] =	sst s10  }
0x35: {  	s10 =	sld [smem:$0x3FAE];
	_ =	sdelay $0x3  }
0x36: {  	p1 =	seq.s32 s10, $0x1;
	s10 =	sld [smem:$0x3FAF];
	_ =	sdelay $0x3  }
0x37: {  	[smem:$0x3FAF] =	sst s10  }
0x38: {  	s10 =	sld [smem:$0x3FB0]  }
0x39: {  	_ = 	snop;
	(pc) =	sbr.ind lr, $3  }
0x3a: {  	_ = 	snop  }
0x3b: {  	_ = 	snop  }
0x3c: {  	p2 =	seq.s32 s10, $0x1;
	s10 =	sld [smem:$0x3FAF]  }
0x3d: {  	_ =	shalt  }
0x3e: {  	_ =	shalt  }
0x3f: {  	_ =	shalt  }
0x40: {  	_ =	shalt  }
0x41: {  	_ =	shalt  }
0x42: {  	_ =	shalt  }
0x43: {  	_ =	shalt  }
0x44: {  	_ =	shalt  }
0x45: {  	_ =	shalt  }
0x46: {  	_ =	shalt  }
0x47: {  	_ =	shalt  }
0x48: {  	_ =	shalt  }
0x49: {  	_ =	shalt  }
0x4a: {  	_ =	shalt  }
0x4b: {  	_ =	shalt  }
0x4c: {  	_ =	shalt  }
0x4d: {  	_ =	shalt  }
0x4e: {  	_ =	shalt  }
0x4f: {  	_ =	shalt  }
0x50: {  	_ =	shalt  }
0x51: {  	_ =	shalt  }
0x52: {  	_ =	shalt  }
0x53: {  	_ =	shalt  }
0x54: {  	_ =	shalt  }
0x55: {  	_ =	shalt  }
0x56: {  	_ =	shalt  }
0x57: {  	_ =	shalt  }
0x58: {  	_ =	shalt  }
0x59: {  	_ =	shalt  }
0x5a: {  	_ =	shalt  }
0x5b: {  	_ =	shalt  }
0x5c: {  	_ =	shalt  }
0x5d: {  	_ =	shalt  }
0x5e: {  	_ =	shalt  }
0x5f: {  	_ =	shalt  }
0x60: {  	_ =	shalt  }
0x61: {  	_ =	shalt  }
0x62: {  	_ =	shalt  }
0x63: {  	_ =	shalt  }
0x64: {  	_ =	shalt  }
0x65: {  	_ =	shalt  }
0x66: {  	_ =	shalt  }
0x67: {  	_ =	shalt  }
0x68: {  	_ =	shalt  }
0x69: {  	_ =	shalt  }
0x6a: {  	_ =	shalt  }
0x6b: {  	_ =	shalt  }
0x6c: {  	_ =	shalt  }
0x6d: {  	_ =	shalt  }
0x6e: {  	_ =	shalt  }
0x6f: {  	_ =	shalt  }
0x70: {  	_ =	shalt  }
0x71: {  	_ =	shalt  }
0x72: {  	_ =	shalt  }
0x73: {  	_ =	shalt  }
0x74: {  	_ =	shalt  }
0x75: {  	_ =	shalt  }
0x76: {  	_ =	shalt  }
0x77: {  	_ =	shalt  }
0x78: {  	_ =	shalt  }
0x79: {  	_ =	shalt  }
0x7a: {  	_ =	shalt  }
0x7b: {  	_ =	shalt  }
0x7c: {  	_ =	shalt  }
0x7d: {  	_ =	shalt  }
0x7e: {  	_ =	shalt  }
0x7f: {  	_ =	shalt  }
0x80: {  	_ =	shalt  }
0x81: {  	_ =	shalt  }
0x82: {  	_ =	shalt  }
0x83: {  	_ =	shalt  }
0x84: {  	_ =	shalt  }
0x85: {  	_ =	shalt  }
0x86: {  	_ =	shalt  }
0x87: {  	_ =	shalt  }
.Lfunc_end0:
.L_simem_size_0:
called_computation.2_lowered:
.L_overlay_start_0:
0x88: {  	s2 =	sld [smem:$0x3FD9]  }
0x89: {  	s3 =	sld [smem:$0x3FFE];
	_ =	sdelay $0x1  }
0x8a: {  	s1 =	srdreg.scid  }
0x8b: {  	s0 =	sand.u32 $0x1, s1  }
0x8c: {  	s17 =	sshll.u32 s0, $0xA;
	s2 =	sadd.s32 s3, s2  }
0x8d: {  	s2 =	sadd.s32 s2, s17  }
0x8e: {  	[smem:$0x3FBB] =	sst s2  }
0x8f: {  	_ = 	snop  }
0x90: {  	s2 =	sld [smem:$0x3FC9];
	(tm) =	ssettm $0x1  }
0x91: {  	s18 =	sld [smem:$0x3FFB];
	_ =	sdelay $0x3  }
0x92: {  	_ =	strace s18  }
0x93: {  	s3 =	sld [smem:$0x3FFC];
	_ =	sdelay $0x3  }
0x94: {  	_ =	strace s3  }
0x95: {  	s3 =	sld [smem:$0x3FFD];
	_ =	sdelay $0x3  }
0x96: {  	_ =	strace s3  }
0x97: {  	_ =	strace $0x8FFFFFFF  }
0x98: {  	s19 =	sld [smem:$0x3FDB];
	_ =	sdelay $0x1  }
0x99: {  	s4 =	simm.s32 $_scs_section_size  }
0x9a: {  	s5 =	simm.s32 $_size__tile_overlayer_lowered;
	s6 =	simm.s32 $_tile_overlayer_lowered  }
0x9b: {  	s22 =	simm.s32 $0x1BFF;
	s21 =	sshll.u32 s6, $0x1;
	s3 =	sadd.s32 s4, s19  }
0x9c: {  	s7 =	simm.s32 $0x0;
	s20 =	sshll.u32 s5, $0x1;
	s5 =	sadd.s32 s21, s3  }
0x9d: {  	[timem:s7], [sflag:s22] =	dma.local [hbm:s5], s20  }
0x9e: {  	_ =	swait.ge [sflag:s22], s20  }
0x9f: {  	s4 =	ssub.s32 $0x0, s20;
	[sflag:s22] =	ssyncset.done $0x0  }
0xa0: {  	[sflag:s22] =	ssyncadd.s32 s4;
	_ =	sdelay $0x1  }
0xa1: {  	s23 =	simm.s32 $0x1B8B  }
0xa2: {  	_ =	swait.ge [sflag:s23], $0x1  }
0xa3: {  	[sflag:s23] =	ssyncset.done $0x0  }
0xa4: {  	s25 =	simm.s32 $0x1B8E;
	s24 =	sld [smem:$0x3FFE];
	[sflag:s23] =	ssyncadd.s32 $0xFFFFFFFF  }
0xa5: {  	s26 =	simm.s32 $execute0_lowered;
	[smem:$0x3FD2] =	sst s25  }
0xa6: {  	s5 =	sshll.u32 s26, $0x1;
	_ =	strace $0x8000004C;
	[dreg:$0x1] =	wrdreg $0xFFFFFFFF  }
0xa7: {  	s28 =	simm.s32 $_size_execute0_lowered;
	s3 =	sadd.s32 s3, s5;
	[dreg:$0x0] =	wrdreg $0x0  }
0xa8: {  	s5 =	sshll.u32 s28, $0x1;
	[dreg:$0x2] =	wrdreg s3  }
0xa9: {  	[dreg:$0x3] =	wrdreg s5  }
0xaa: {  	[dreg:$0x4] =	wrdreg $0xC0  }
0xab: {  	_ =	task [dreg:s7], $0x5FFFF  }
0xac: {  	[dreg:$0x1] =	wrdreg $0xFFFFFFFF  }
0xad: {  	[dreg:$0x0] =	wrdreg $0x60  }
0xae: {  	[dreg:$0x2] =	wrdreg s24  }
0xaf: {  	[dreg:$0x3] =	wrdreg s2  }
0xb0: {  	[dreg:$0x4] =	wrdreg $0x9  }
0xb1: {  	_ =	task.clear_ibuf [dreg:s7], $0x5FFFF;
	_ =	strace $0x9000004C  }
0xb2: {  	s29 =	simm.s32 $0x9;
	_ =	strace $0x8000004E  }
0xb3: {  	_ =	swait.ge [sflag:s29], $0x1  }
0xb4: {  	[sflag:s29] =	ssyncadd.s32 $0xFFFFFFFF  }
0xb5: {  	_ =	strace $0x9000004E  }
0xb6: {  	_ =	sfence  }
0xb7: {  	s30 =	sld [smem:$0x0];
	_ =	sdelay $0x2  }
0xb8: {  	s31 =	sshll.u32 s1, $0xD;
	s1 =	sshrl.u32 s1, $0x2  }
0xb9: {  	s3 =	sand.u32 $0x4000, s31;
	s1 =	sadd.s32 s1, s30  }
0xba: {  	s0 =	sor.u32 s3, s0;
	s1 =	sshll.u32 s1, $0x11  }
0xbb: {  	s0 =	sor.u32 s1, s0  }
0xbc: {  	s0 =	sadd.s32 $0x8F2B, s0  }
0xbd: {  	[sflag:s0] =	ssyncadd.remote.s32 $0x1  }
0xbe: {  	_ =	sfence.sel $0xFFFF  }
0xbf: {  	[dreg:$0x0] =	wrdreg $0xFFFFFFFF;
	(pc) =	sbr.abs _section_cstart, $3  }
0xc0: {  	[dreg:$0x1] =	wrdreg $0xFFFFFFFF  }
0xc1: {  	_ =	task.clear_ibuf [dreg:s7], $0x2FFFF;
	_ =	strace $0x9FFFFFFF  }
0xc2: {  	(tm) =	ssettm $0x7FFFFFFF  }
0xc3: {  	_ =	shalt  }
tec
execute0_lowered:
.L_overlay_start_1:
0x0: {  	(tag) =	ssettag $0x1  }
0x1: {  	s0 =	srdreg.scid  }
0x2: {  	s11 =	rddreg [dreg:$0x0];
	s12 =	sand.u32 $0x1, s0  }
0x3: {  	s3 =	rddreg [dreg:$0x1];
	s1 =	stileid.u32;
	s2 =	sshll.u32 s12, $0x4  }
0x4: {  	s0 =	rddreg [dreg:$0x2];
	s4 =	sshll.u32 s1, $0x4;
	s8 =	sor.u32 s1, s2  }
0x5: {  	s4 =	sand.u32 $0x70, s4;
	s2 =	simm.s32 $0x0;
	s5 =	sshll.u32 s8, $0x4  }
0x6: {  	s3 =	sadd.s32 s3, s4;
	[smem:$0x7FF] =	sst s2;
	s5 =	sand.u32 $0x180, s5  }
0x7: {  	_ =	strace $0x8000004D;
	s4 =	sadd.s32 s5, s3;
	s3 =	simm.s32 $0x2  }
0x8: {  	[tilespmem:s2], [sflag:$0x2] =	stream.linear.gather [hbm4b:s4+s2], $0x80, $0x38;
	[tilespmem:$0x4080] =	vst v63  }
0x9: {  	_ =	swait.ge [sflag:s3], $0x80  }
0xa: {  	s6 =	simm.s32 $0x80;
	[sflag:s3] =	ssyncset.done $0x0  }
0xb: {  	s7 =	simm.s32 $0x1;
	s5 =	sadd.s32 $0x51E00, s11;
	[sflag:s3] =	ssyncadd.s32 $0xFFFFFF80  }
0xc: {  	[tilespmem:s6], [sflag:$0x1] =	stream.indirect.gather [hbm4b:s5+s6], $0x80, s2, s6, $0xb8;
	[tilespmem:$0x4080] =	vst v63  }
0xd: {  	s8 =	sshll.u32 s8, $0xB;
	_ =	swait.ge [sflag:s7], $0x4000  }
0xe: {  	s13 =	sadd.s32 s8, s11;
	[sflag:s7] =	ssyncset.done $0x0  }
0xf: {  	s8 =	sadd.s32 $0x79E00, s13;
	[sflag:s7] =	ssyncadd.s32 $0xFFFFC000  }
0x10: {  	[hbm4b:s8+s2] =	stream.linear.scatter [tilespmem:s6], [sflag:$0x2], $0x4000, $0x38;
	[tilespmem:$0x4080] =	vst v63  }
0x11: {  	_ =	swait.ge [sflag:s3], $0x4000  }
0x12: {  	[sflag:s3] =	ssyncset.done $0x0  }
0x13: {  	s9 =	sadd.s32 $0x29E00, s11;
	[sflag:s3] =	ssyncadd.s32 $0xFFFFC000  }
0x14: {  	[tilespmem:s6], [sflag:$0x1] =	stream.indirect.gather [hbm4b:s9+s6], $0x80, s2, s6, $0xb8;
	[tilespmem:$0x4080] =	vst v63  }
0x15: {  	_ =	swait.ge [sflag:s7], $0x4000  }
0x16: {  	[sflag:s7] =	ssyncset.done $0x0  }
0x17: {  	s12 =	ssub.s32 $0x2, s12;
	s10 =	sadd.s32 $0x89E00, s13;
	[sflag:s7] =	ssyncadd.s32 $0xFFFFC000  }
0x18: {  	[hbm4b:s10+s2] =	stream.linear.scatter [tilespmem:s6], [sflag:$0x2], $0x4000, $0x38;
	[tilespmem:$0x4080] =	vst v63  }
0x19: {  	s14 =	sshrl.u32 s12, $0x1;
	_ =	swait.ge [sflag:s3], $0x4000  }
0x1a: {  	s14 =	ssub.s32 s12, s14;
	[sflag:s3] =	ssyncset.done $0x0  }
0x1b: {  	s31 =	smax.u32 s14, $0x1;
	s11 =	sadd.s32 $0x2C00, s11;
	[sflag:s3] =	ssyncadd.s32 $0xFFFFC000  }
0x1c: {  	[tilespmem:s6], [sflag:$0x1] =	stream.indirect.gather [hbm4b:s11+s6], $0x80, s2, s6, $0xb8;
	[tilespmem:$0x4080] =	vst v63  }
0x1d: {  	p0 =	sne.s32 s31, $0x1;
	_ =	swait.ge [sflag:s7], $0x4000  }
.Ltmp0:
0x1e: {  	[sflag:s7] =	ssyncset.done $0x0;
	(pc) =	sbr.rel @!p0 .LBB2_2-.Ltmp0, $4  }
0x1f: {  	s12 =	sadd.s32 $0x99E00, s13;
	[sflag:s7] =	ssyncadd.s32 $0xFFFFC000  }
0x20: {  	[hbm4b:s12+s2] =	stream.linear.scatter [tilespmem:s6], [sflag:$0x2], $0x4000, $0x38;
	[tilespmem:$0x4080] =	vst v63  }
0x21: {  	_ =	swait.ge [sflag:s3], $0x4000  }
0x22: {  	s13 =	sadd.s32 $0xFFFFFFFF, s31;
	[sflag:s3] =	ssyncset.done $0x0  }
.LBB2_1:
0x23: {  	p0 =	sne.s32 s13, $0x1;
	s13 =	sadd.s32 $0xFFFFFFFF, s13;
	[sflag:s3] =	ssyncadd.s32 $0xFFFFC000  }
0x24: {  	[tilespmem:s2], [sflag:$0x2] =	stream.linear.gather [hbm4b:s4+s2], $0x80, $0x38;
	[tilespmem:$0x4080] =	vst v63  }
0x25: {  	_ =	swait.ge [sflag:s3], $0x80  }
0x26: {  	[sflag:s3] =	ssyncset.done $0x0  }
0x27: {  	[sflag:s3] =	ssyncadd.s32 $0xFFFFFF80  }
0x28: {  	[tilespmem:s6], [sflag:$0x1] =	stream.indirect.gather [hbm4b:s5+s6], $0x80, s2, s6, $0xb8;
	[tilespmem:$0x4080] =	vst v63  }
0x29: {  	_ =	swait.ge [sflag:s7], $0x4000  }
0x2a: {  	[sflag:s7] =	ssyncset.done $0x0  }
0x2b: {  	[sflag:s7] =	ssyncadd.s32 $0xFFFFC000  }
0x2c: {  	[hbm4b:s8+s2] =	stream.linear.scatter [tilespmem:s6], [sflag:$0x2], $0x4000, $0x38;
	[tilespmem:$0x4080] =	vst v63  }
0x2d: {  	_ =	swait.ge [sflag:s3], $0x4000  }
0x2e: {  	[sflag:s3] =	ssyncset.done $0x0  }
0x2f: {  	[sflag:s3] =	ssyncadd.s32 $0xFFFFC000  }
0x30: {  	[tilespmem:s6], [sflag:$0x1] =	stream.indirect.gather [hbm4b:s9+s6], $0x80, s2, s6, $0xb8;
	[tilespmem:$0x4080] =	vst v63  }
0x31: {  	_ =	swait.ge [sflag:s7], $0x4000  }
0x32: {  	[sflag:s7] =	ssyncset.done $0x0  }
0x33: {  	[sflag:s7] =	ssyncadd.s32 $0xFFFFC000  }
0x34: {  	[hbm4b:s10+s2] =	stream.linear.scatter [tilespmem:s6], [sflag:$0x2], $0x4000, $0x38;
	[tilespmem:$0x4080] =	vst v63  }
0x35: {  	_ =	swait.ge [sflag:s3], $0x4000  }
0x36: {  	[sflag:s3] =	ssyncset.done $0x0  }
0x37: {  	[sflag:s3] =	ssyncadd.s32 $0xFFFFC000  }
0x38: {  	[tilespmem:s6], [sflag:$0x1] =	stream.indirect.gather [hbm4b:s11+s6], $0x80, s2, s6, $0xb8;
	[tilespmem:$0x4080] =	vst v63  }
0x39: {  	_ =	swait.ge [sflag:s7], $0x4000  }
.Ltmp1:
0x3a: {  	[sflag:s7] =	ssyncset.done $0x0;
	(pc) =	sbr.rel @p0 .LBB2_1-.Ltmp1, $4  }
0x3b: {  	[sflag:s7] =	ssyncadd.s32 $0xFFFFC000  }
0x3c: {  	[hbm4b:s12+s2] =	stream.linear.scatter [tilespmem:s6], [sflag:$0x2], $0x4000, $0x38;
	[tilespmem:$0x4080] =	vst v63  }
0x3d: {  	_ =	swait.ge [sflag:s3], $0x4000  }
0x3e: {  	[sflag:s3] =	ssyncset.done $0x0  }
.LBB2_2:
0x3f: {  	[sflag:s3] =	ssyncadd.s32 $0xFFFFC000  }
0x40: {  	_ =	sfence.sel $0x180000  }
0x41: {  	[bflag:$0x0] =	sbarrier.arrive $0xFFFF  }
0x42: {  	p0 =	sne.s32 s1, $0x0;
	_ =	strace $0x9000004D  }
0x43: {  	s0 =	sadd.s32 @!p0 $0x100000, s0;
	[bflag:$0x2] =	sbarrier.arrive $0xFFFF  }
0x44: {  	[sflag:s0] =	ssyncadd.tile.s32 @!p0 $0x1;
	_ =	shalt  }
.Lfunc_end2:
_tile_overlayer_lowered:
.L_overlay_start_2:
0x45: {  	(tag) =	ssettag $0x2  }
0x46: {  	s0 =	rddreg [dreg:$0x0];
	s2 =	stileid.u32  }
0x47: {  	s1 =	rddreg [dreg:$0x1];
	p0 =	sne.s32 s2, $0x0  }
0x48: {  	s3 =	rddreg [dreg:$0x2];
	[bflag:$0x3] =	sbarrier.arrive $0xFFFF;
	s2 =	simm.s32 @!p0 $0x1C02  }
0x49: {  	[timem:s3], [sflag:s2] =	dma.local @!p0 [hbm:s0], s1  }
0x4a: {  	s0 =	simm.s32 @!p0 $0x2  }
0x4b: {  	_ =	swait.ge @!p0 [sflag:s0], s1  }
0x4c: {  	s1 =	ssub.s32 @!p0 $0x0, s1;
	[sflag:s0] =	ssyncset.done @!p0 $0x0  }
0x4d: {  	[sflag:s0] =	ssyncadd.s32 @!p0 s1  }
0x4e: {  	[bflag:$0x3] =	sbarrier.arrive $0xFFFF  }
0x4f: {  	_ =	shalt  }

// kernel: kernel.8.cloned.1.call-start
scs
__scs_entry_jumppad:
0x0: {  	(pc) =	sbr.rel $0x88, $3  }
0x1: {  	(tag) =	ssettag $0x0;
	lr =	simm.s32 $0x1  }
0x2: {  	[smem:$0x3F94] =	sst lr;
	_ =	strace $0xD0000000  }
0x3: {  	_ = 	snop  }
0x4: {  	_ = 	snop  }
0x5: {  	_ = 	snop  }
0x6: {  	_ = 	snop  }
0x7: {  	_ = 	snop  }
__scs_overlays_trampoline_lowered:
0x8: {  	[smem:$0x3FA3] =	sst s0  }
0x9: {  	[smem:$0x3FA4] =	sst s1  }
0xa: {  	[smem:$0x3FA5] =	sst s2  }
0xb: {  	[smem:$0x3FA6] =	sst s3  }
0xc: {  	[smem:$0x3FA7] =	sst s4  }
0xd: {  	[smem:$0x3FA8] =	sst s5  }
0xe: {  	[smem:$0x3FA9] =	sst s6  }
0xf: {  	[smem:$0x3FAA] =	sst s7  }
0x10: {  	[smem:$0x3FAB] =	sst s8  }
0x11: {  	[smem:$0x3FAC] =	sst s9;
	s0 =	simm.s32 @!p0 $0x0  }
0x12: {  	s1 =	sld [smem:$0x3F92];
	s0 =	simm.s32 @p0 $0x1  }
0x13: {  	[smem:$0x3FAD] =	sst s0;
	s0 =	simm.s32 @!p1 $0x0  }
0x14: {  	s2 =	sld [smem:$0x3F91];
	s0 =	simm.s32 @p1 $0x1  }
0x15: {  	[smem:$0x3FAE] =	sst s0;
	s0 =	simm.s32 @!p2 $0x0  }
0x16: {  	s3 =	sld [smem:$0x3FDB];
	s0 =	simm.s32 @p2 $0x1  }
0x17: {  	s4 =	simm.s32 $0x1BF5;
	[smem:$0x3FB0] =	sst s0  }
0x18: {  	s0 =	sld [smem:$0x3F93];
	_ =	swait.ge [sflag:s4], $0x0  }
0x19: {  	s7 =	sld [smem:$0x3F94]  }
0x1a: {  	s8 =	sadd.s32 $0xFFFFE003, lr  }
0x1b: {  	s9 =	sadd.s32 $0xFFFFFEF7, lr;
	s5 =	simm.s32 $0xFFFFFFFF;
	p2 =	slt.u32 s8, $0xFFFFF086  }
0x1c: {  	p1 =	slt.u32 s9, $0xF7A;
	s5 =	simm.s32 @!p2 $0x0  }
0x1d: {  	s5 =	simm.s32 @p1 $0x1;
	p0 =	seq.s32 s7, s2  }
0x1e: {  	s7 =	smul.u32 @!p0 $0xF7A, s2;
	p2 =	seq.s32 @!p0 s5, $0x0  }
0x1f: {  	s9 =	smul.u32 $0xF7A, s1;
	s8 =	simm.s32 @!p0 $0x1BF5;
	p2 =	por !p2, p0  }
0x20: {  	[sflag:s8] =	ssyncset.s32 @!p0 $0xFFFFF086;
	s6 =	sadd.s32 @!p0 s3, s7;
	s7 =	simm.s32 @!p0 $0x108  }
0x21: {  	s3 =	sadd.s32 s3, s9;
	s6 =	sadd.s32 @!p0 $0x88, s6;
	s7 =	simm.s32 @p2 $0x1082  }
0x22: {  	[simem:s7], [sflag:s8] =	dma.local @!p0 [hbm:s6], $0xF7A  }
0x23: {  	s9 =	sor.u32 $0xD0000000, s2;
	s6 =	simm.s32 $0x108;
	_ =	swait.ge @!p0 [sflag:s8], $0x0  }
0x24: {  	s3 =	sadd.s32 $0x88, s3;
	s6 =	simm.s32 @!p1 $0x1082;
	[sflag:s4] =	ssyncset.s32 $0xFFFFF086  }
0x25: {  	[simem:s6], [sflag:s4] =	dma.local [hbm:s3], $0xF7A  }
0x26: {  	[smem:$0x3F94] =	sst s1;
	(tag) =	ssettag s2;
	_ =	strace s9  }
0x27: {  	s1 =	sld [smem:$0x3FA4]  }
0x28: {  	s2 =	sld [smem:$0x3FA5]  }
0x29: {  	s4 =	sld [smem:$0x3FA7]  }
0x2a: {  	p0 =	seq.s32 s5, $0x0;
	s5 =	sld [smem:$0x3FA8]  }
0x2b: {  	s6 =	sld [smem:$0x3FA9]  }
0x2c: {  	s7 =	sld [smem:$0x3FAA]  }
0x2d: {  	s3 =	simm.s32 $0x108;
	s8 =	sld [smem:$0x3FAB]  }
0x2e: {  	s3 =	simm.s32 @!p0 $0x1082;
	s9 =	sld [smem:$0x3FAC]  }
0x2f: {  	lr =	sadd.s32 s0, s3;
	s0 =	sld [smem:$0x3FA3]  }
0x30: {  	s3 =	sld [smem:$0x3FA6]  }
0x31: {  	[smem:$0x3FAF] =	sst s10  }
0x32: {  	s10 =	sld [smem:$0x3FAD];
	_ =	sdelay $0x3  }
0x33: {  	p0 =	seq.s32 s10, $0x1;
	s10 =	sld [smem:$0x3FAF];
	_ =	sdelay $0x3  }
0x34: {  	[smem:$0x3FAF] =	sst s10  }
0x35: {  	s10 =	sld [smem:$0x3FAE];
	_ =	sdelay $0x3  }
0x36: {  	p1 =	seq.s32 s10, $0x1;
	s10 =	sld [smem:$0x3FAF];
	_ =	sdelay $0x3  }
0x37: {  	[smem:$0x3FAF] =	sst s10  }
0x38: {  	s10 =	sld [smem:$0x3FB0]  }
0x39: {  	_ = 	snop;
	(pc) =	sbr.ind lr, $3  }
0x3a: {  	_ = 	snop  }
0x3b: {  	_ = 	snop  }
0x3c: {  	p2 =	seq.s32 s10, $0x1;
	s10 =	sld [smem:$0x3FAF]  }
0x3d: {  	_ =	shalt  }
0x3e: {  	_ =	shalt  }
0x3f: {  	_ =	shalt  }
0x40: {  	_ =	shalt  }
0x41: {  	_ =	shalt  }
0x42: {  	_ =	shalt  }
0x43: {  	_ =	shalt  }
0x44: {  	_ =	shalt  }
0x45: {  	_ =	shalt  }
0x46: {  	_ =	shalt  }
0x47: {  	_ =	shalt  }
0x48: {  	_ =	shalt  }
0x49: {  	_ =	shalt  }
0x4a: {  	_ =	shalt  }
0x4b: {  	_ =	shalt  }
0x4c: {  	_ =	shalt  }
0x4d: {  	_ =	shalt  }
0x4e: {  	_ =	shalt  }
0x4f: {  	_ =	shalt  }
0x50: {  	_ =	shalt  }
0x51: {  	_ =	shalt  }
0x52: {  	_ =	shalt  }
0x53: {  	_ =	shalt  }
0x54: {  	_ =	shalt  }
0x55: {  	_ =	shalt  }
0x56: {  	_ =	shalt  }
0x57: {  	_ =	shalt  }
0x58: {  	_ =	shalt  }
0x59: {  	_ =	shalt  }
0x5a: {  	_ =	shalt  }
0x5b: {  	_ =	shalt  }
0x5c: {  	_ =	shalt  }
0x5d: {  	_ =	shalt  }
0x5e: {  	_ =	shalt  }
0x5f: {  	_ =	shalt  }
0x60: {  	_ =	shalt  }
0x61: {  	_ =	shalt  }
0x62: {  	_ =	shalt  }
0x63: {  	_ =	shalt  }
0x64: {  	_ =	shalt  }
0x65: {  	_ =	shalt  }
0x66: {  	_ =	shalt  }
0x67: {  	_ =	shalt  }
0x68: {  	_ =	shalt  }
0x69: {  	_ =	shalt  }
0x6a: {  	_ =	shalt  }
0x6b: {  	_ =	shalt  }
0x6c: {  	_ =	shalt  }
0x6d: {  	_ =	shalt  }
0x6e: {  	_ =	shalt  }
0x6f: {  	_ =	shalt  }
0x70: {  	_ =	shalt  }
0x71: {  	_ =	shalt  }
0x72: {  	_ =	shalt  }
0x73: {  	_ =	shalt  }
0x74: {  	_ =	shalt  }
0x75: {  	_ =	shalt  }
0x76: {  	_ =	shalt  }
0x77: {  	_ =	shalt  }
0x78: {  	_ =	shalt  }
0x79: {  	_ =	shalt  }
0x7a: {  	_ =	shalt  }
0x7b: {  	_ =	shalt  }
0x7c: {  	_ =	shalt  }
0x7d: {  	_ =	shalt  }
0x7e: {  	_ =	shalt  }
0x7f: {  	_ =	shalt  }
0x80: {  	_ =	shalt  }
0x81: {  	_ =	shalt  }
0x82: {  	_ =	shalt  }
0x83: {  	_ =	shalt  }
0x84: {  	_ =	shalt  }
0x85: {  	_ =	shalt  }
0x86: {  	_ =	shalt  }
0x87: {  	_ =	shalt  }
.Lfunc_end0:
.L_simem_size_0:
called_computation_lowered:
.L_overlay_start_0:
0x88: {  	s2 =	sld [smem:$0x3FD9]  }
0x89: {  	s3 =	sld [smem:$0x3FFE];
	_ =	sdelay $0x1  }
0x8a: {  	s1 =	srdreg.scid  }
0x8b: {  	s0 =	sand.u32 $0x1, s1  }
0x8c: {  	s17 =	sshll.u32 s0, $0xA;
	s2 =	sadd.s32 s3, s2  }
0x8d: {  	s2 =	sadd.s32 s2, s17  }
0x8e: {  	[smem:$0x3FBB] =	sst s2  }
0x8f: {  	_ = 	snop  }
0x90: {  	s2 =	sld [smem:$0x3FD0];
	(tm) =	ssettm $0x1  }
0x91: {  	s18 =	sld [smem:$0x3FFB];
	_ =	sdelay $0x3  }
0x92: {  	_ =	strace s18  }
0x93: {  	s3 =	sld [smem:$0x3FFC];
	_ =	sdelay $0x3  }
0x94: {  	_ =	strace s3  }
0x95: {  	s3 =	sld [smem:$0x3FFD];
	_ =	sdelay $0x3  }
0x96: {  	_ =	strace s3  }
0x97: {  	_ =	strace $0x8FFFFFFF  }
0x98: {  	s19 =	sld [smem:$0x3FDB];
	_ =	sdelay $0x1  }
0x99: {  	s4 =	simm.s32 $_scs_section_size  }
0x9a: {  	s5 =	simm.s32 $_size__tile_overlayer_lowered;
	s6 =	simm.s32 $_tile_overlayer_lowered  }
0x9b: {  	s22 =	simm.s32 $0x1BFF;
	s21 =	sshll.u32 s6, $0x1;
	s3 =	sadd.s32 s4, s19  }
0x9c: {  	s7 =	simm.s32 $0x0;
	s20 =	sshll.u32 s5, $0x1;
	s5 =	sadd.s32 s21, s3  }
0x9d: {  	[timem:s7], [sflag:s22] =	dma.local [hbm:s5], s20  }
0x9e: {  	_ =	swait.ge [sflag:s22], s20  }
0x9f: {  	s4 =	ssub.s32 $0x0, s20;
	[sflag:s22] =	ssyncset.done $0x0  }
0xa0: {  	[sflag:s22] =	ssyncadd.s32 s4;
	_ =	sdelay $0x1  }
0xa1: {  	s23 =	simm.s32 $0x1B8B  }
0xa2: {  	_ =	swait.ge [sflag:s23], $0x1  }
0xa3: {  	[sflag:s23] =	ssyncset.done $0x0  }
0xa4: {  	s25 =	simm.s32 $0x1B8E;
	s24 =	sld [smem:$0x3FFE];
	[sflag:s23] =	ssyncadd.s32 $0xFFFFFFFF  }
0xa5: {  	s26 =	simm.s32 $execute0_lowered;
	[smem:$0x3FD2] =	sst s25  }
0xa6: {  	s5 =	sshll.u32 s26, $0x1;
	_ =	strace $0x80000046;
	[dreg:$0x1] =	wrdreg $0xFFFFFFFF  }
0xa7: {  	s28 =	simm.s32 $_size_execute0_lowered;
	s3 =	sadd.s32 s3, s5;
	[dreg:$0x0] =	wrdreg $0x0  }
0xa8: {  	s5 =	sshll.u32 s28, $0x1;
	[dreg:$0x2] =	wrdreg s3  }
0xa9: {  	[dreg:$0x3] =	wrdreg s5  }
0xaa: {  	[dreg:$0x4] =	wrdreg $0xC0  }
0xab: {  	_ =	task [dreg:s7], $0x5FFFF  }
0xac: {  	[dreg:$0x1] =	wrdreg $0xFFFFFFFF  }
0xad: {  	[dreg:$0x0] =	wrdreg $0x60  }
0xae: {  	[dreg:$0x2] =	wrdreg s24  }
0xaf: {  	[dreg:$0x3] =	wrdreg s2  }
0xb0: {  	[dreg:$0x4] =	wrdreg $0x90000  }
0xb1: {  	[dreg:$0x5] =	wrdreg $0x9  }
0xb2: {  	_ =	task.clear_ibuf [dreg:s7], $0x6FFFF;
	_ =	strace $0x90000046  }
0xb3: {  	s29 =	simm.s32 $0x9;
	_ =	strace $0x80000048  }
0xb4: {  	_ =	swait.ge [sflag:s29], $0x1  }
0xb5: {  	[sflag:s29] =	ssyncadd.s32 $0xFFFFFFFF  }
0xb6: {  	_ =	strace $0x90000048  }
0xb7: {  	_ =	sfence  }
0xb8: {  	s30 =	sld [smem:$0x0];
	_ =	sdelay $0x2  }
0xb9: {  	s31 =	sshll.u32 s1, $0xD;
	s1 =	sshrl.u32 s1, $0x2  }
0xba: {  	s3 =	sand.u32 $0x4000, s31;
	s1 =	sadd.s32 s1, s30  }
0xbb: {  	s0 =	sor.u32 s3, s0;
	s1 =	sshll.u32 s1, $0x11  }
0xbc: {  	s0 =	sor.u32 s1, s0  }
0xbd: {  	s0 =	sadd.s32 $0x8F2B, s0  }
0xbe: {  	[sflag:s0] =	ssyncadd.remote.s32 $0x1  }
0xbf: {  	_ =	sfence.sel $0xFFFF  }
0xc0: {  	[dreg:$0x0] =	wrdreg $0xFFFFFFFF;
	(pc) =	sbr.abs _section_cstart, $3  }
0xc1: {  	[dreg:$0x1] =	wrdreg $0xFFFFFFFF  }
0xc2: {  	_ =	task.clear_ibuf [dreg:s7], $0x2FFFF;
	_ =	strace $0x9FFFFFFF  }
0xc3: {  	(tm) =	ssettm $0x7FFFFFFF  }
tec
execute0_lowered:
.L_overlay_start_1:
0x0: {  	(tag) =	ssettag $0x1  }
0x1: {  	s5 =	rddreg [dreg:$0x0]  }
0x2: {  	s0 =	srdreg.scid;
	s7 =	rddreg [dreg:$0x1]  }
0x3: {  	s2 =	rddreg [dreg:$0x2];
	s3 =	simm.s32 $0x0;
	s15 =	simm.s32 $0x5000  }
0x4: {  	s16 =	simm.s32 $0x1;
	s6 =	sand.u32 $0x1, s0;
	s0 =	stileid.u32  }
0x5: {  	s17 =	simm.s32 $0x0;
	[smem:$0x7FF] =	sst s3;
	s9 =	smul.u32 $0x14000, s0  }
0x6: {  	s1 =	sshll.u32 s6, $0x4;
	s10 =	smul.u32 $0x140000, s6;
	s6 =	ssub.s32 $0x2, s6  }
0x7: {  	s30 =	smul.u32 $0x50000, s0;
	s31 =	sshll.u32 s0, $0x6;
	s4 =	sor.u32 s0, s1  }
0x8: {  	s1 =	rddreg [dreg:$0x3];
	_ =	strace $0x80000047;
	s13 =	sshrl.u32 s6, $0x1  }
0x9: {  	s8 =	smul.u32 $0x500, s4;
	s4 =	sadd.s32 $0x29E00, s5;
	s12 =	sshrl.u32 s9, $0x3  }
0xa: {  	s9 =	sadd.s32 s9, s10;
	s13 =	ssub.s32 s6, s13;
	s10 =	sshrl.u32 s30, $0x2  }
0xb: {  	s12 =	sadd.s32 s12, s5;
	s9 =	sshrl.u32 s9, $0x3;
	s14 =	sadd.s32 s10, s2  }
0xc: {  	s10 =	simm.s32 $0x2;
	s11 =	sadd.s32 s8, s5;
	s9 =	sadd.s32 s9, s5  }
0xd: {  	s5 =	sadd.s32 s7, s8;
	s7 =	sadd.s32 $0x5B000, s12;
	s12 =	sor.u32 $0x1C02, s31  }
0xe: {  	s6 =	sadd.s32 $0x51000, s11;
	s8 =	sadd.s32 $0x83000, s9;
	s9 =	smax.u32 s13, $0x1  }
0xf: {  	s11 =	simm.s32 $0x2800;
	s13 =	sshrl.u32 s14, $0x3;
	s14 =	simm.s32 $0x80  }
.LBB2_1:
0x10: {  	[tilespmem:s3], [sflag:$0x2] =	stream.linear.gather [hbm4b:s5+s3], $0x2800, $0x38;
	[tilespmem:$0x1D000] =	vst v63  }
0x11: {  	_ =	swait.ge [sflag:s10], $0x2800  }
0x12: {  	[sflag:s10] =	ssyncset.done $0x0  }
0x13: {  	[sflag:s10] =	ssyncadd.s32 $0xFFFFD800  }
0x14: {  	[tilespmem:s11], [sflag:$0x2] =	stream.linear.gather [hbm4b:s6+s3], $0x2800, $0x38;
	[tilespmem:$0x1D000] =	vst v63  }
0x15: {  	_ =	swait.ge [sflag:s10], $0x2800  }
0x16: {  	[sflag:s10] =	ssyncset.done $0x0  }
0x17: {  	[sflag:s10] =	ssyncadd.s32 $0xFFFFD800  }
0x18: {  	[spmem:s13], [sflag:s12] =	dma.local [hbm:s7], $0x2800  }
0x19: {  	_ =	swait.ge [sflag:s10], $0x2800  }
0x1a: {  	[sflag:s10] =	ssyncset.done $0x0  }
0x1b: {  	[sflag:s10] =	ssyncadd.s32 $0xFFFFD800  }
0x1c: {  	s18 =	simm.s32 $0x2800;
	[bflag:$0x0] =	sbarrier.arrive $0xFFFF  }
0x1d: {  	[tilespmem:s15], [sflag:$0x1] =	stream.indirect.gather [hbm4b:s4+s14], $0x80, s18, s14, $0xb8;
	[tilespmem:$0x1D000] =	vst v63  }
0x1e: {  	_ =	swait.ge [sflag:s16], $0x4000  }
0x1f: {  	[sflag:s16] =	ssyncset.done $0x0  }
0x20: {  	s31 =	simm.s32 $0x0;
	[sflag:s16] =	ssyncadd.s32 $0xFFFFC000  }
0x21: {  	[spmem:s2] =	stream.indirect.scatter.add.f32 [tilespmem:s15], [sflag:$0x2], $0x80, s31, s14, $0xb8;
	[tilespmem:$0x1D000] =	vst v63  }
0x22: {  	_ =	swait.ge [sflag:s10], $0x4000  }
0x23: {  	s19 =	simm.s32 $0x400;
	s18 =	simm.s32 $0x80;
	[sflag:s10] =	ssyncset.done $0x0  }
.LBB2_2:
0x24: {  	s20 =	sadd.s32 $0x2800, s18  }
0x25: {  	[sflag:s10] =	ssyncadd.s32 $0xFFFFC000;
	s21 =	smov.u32 s19;
	s22 =	sadd.s32 $0x200, s19  }
0x26: {  	[tilespmem:s15], [sflag:$0x1] =	stream.indirect.gather [hbm4b:s4+s14], $0x80, s20, s14, $0xb8;
	[tilespmem:$0x1D000] =	vst v63  }
0x27: {  	p0 =	sne.s32 s19, $0x9E00;
	_ =	swait.ge [sflag:s16], $0x4000  }
.Ltmp0:
0x28: {  	[sflag:s16] =	ssyncset.done $0x0;
	(pc) =	sbr.rel @p0 .LBB2_2-.Ltmp0, $4  }
0x29: {  	[sflag:s16] =	ssyncadd.s32 $0xFFFFC000  }
0x2a: {  	[spmem:s2] =	stream.indirect.scatter.add.f32 [tilespmem:s15], [sflag:$0x2], $0x80, s18, s14, $0xb8;
	[tilespmem:$0x1D000] =	vst v63  }
0x2b: {  	_ =	swait.ge [sflag:s10], $0x4000  }
0x2c: {  	s19 =	smov.u32 s22;
	s18 =	sshra.s32 s21, $0x2;
	[sflag:s10] =	ssyncset.done $0x0  }
0x2d: {  	s19 =	sadd.s32 $0x2800, s18;
	[sflag:s10] =	ssyncadd.s32 $0xFFFFC000  }
0x2e: {  	[tilespmem:s15], [sflag:$0x1] =	stream.indirect.gather [hbm4b:s4+s14], $0x80, s19, s14, $0xb8;
	[tilespmem:$0x1D000] =	vst v63  }
0x2f: {  	_ =	swait.ge [sflag:s16], $0x4000  }
0x30: {  	[sflag:s16] =	ssyncset.done $0x0  }
0x31: {  	[sflag:s16] =	ssyncadd.s32 $0xFFFFC000  }
0x32: {  	[spmem:s2] =	stream.indirect.scatter.add.f32 [tilespmem:s15], [sflag:$0x2], $0x80, s18, s14, $0xb8;
	[tilespmem:$0x1D000] =	vst v63  }
0x33: {  	_ =	swait.ge [sflag:s10], $0x4000  }
0x34: {  	s17 =	sadd.s32 $0x1, s17;
	[sflag:s10] =	ssyncset.done $0x0  }
0x35: {  	p0 =	sne.s32 s17, s9;
	[sflag:s10] =	ssyncadd.s32 $0xFFFFC000  }
.Ltmp1:
0x36: {  	[bflag:$0x0] =	sbarrier.arrive $0xFFFF;
	(pc) =	sbr.rel @p0 .LBB2_1-.Ltmp1, $4  }
0x37: {  	[hbm:s8], [sflag:s12] =	dma.local [spmem:s13], $0x2800  }
0x38: {  	_ =	swait.ge [sflag:s10], $0x2800  }
0x39: {  	[sflag:s10] =	ssyncset.done $0x0  }
0x3a: {  	[sflag:s10] =	ssyncadd.s32 $0xFFFFD800  }
0x3b: {  	_ =	sfence.sel $0x180000  }
0x3c: {  	[bflag:$0x0] =	sbarrier.arrive $0xFFFF  }
0x3d: {  	p0 =	sne.s32 s0, $0x0;
	_ =	strace $0x90000047  }
0x3e: {  	s0 =	sadd.s32 @!p0 $0x100000, s1;
	[bflag:$0x2] =	sbarrier.arrive $0xFFFF  }
0x3f: {  	[sflag:s0] =	ssyncadd.tile.s32 @!p0 $0x1;
	_ =	shalt  }
.Lfunc_end2:
_tile_overlayer_lowered:
.L_overlay_start_2:
0x40: {  	(tag) =	ssettag $0x2  }
0x41: {  	s0 =	rddreg [dreg:$0x0];
	s2 =	stileid.u32  }
0x42: {  	s1 =	rddreg [dreg:$0x1];
	p0 =	sne.s32 s2, $0x0  }
0x43: {  	s3 =	rddreg [dreg:$0x2];
	[bflag:$0x3] =	sbarrier.arrive $0xFFFF;
	s2 =	simm.s32 @!p0 $0x1C02  }
0x44: {  	[timem:s3], [sflag:s2] =	dma.local @!p0 [hbm:s0], s1  }
0x45: {  	s0 =	simm.s32 @!p0 $0x2  }
0x46: {  	_ =	swait.ge @!p0 [sflag:s0], s1  }
0x47: {  	s1 =	ssub.s32 @!p0 $0x0, s1;
	[sflag:s0] =	ssyncset.done @!p0 $0x0  }
0x48: {  	[sflag:s0] =	ssyncadd.s32 @!p0 s1  }
0x49: {  	[bflag:$0x3] =	sbarrier.arrive $0xFFFF  }
0x4a: {  	_ =	shalt  }

</sc_bundles>
